<compile_context>
chip_gen: v7x
topology: tpu7x:2x2x1
jax: 0.10.2.dev20260603
libtpu: 0.0.44.dev20260713+nightly
codegen_flags: <defaults>
</compile_context>

<pallas_src>
import functools

import jax
import jax.numpy as jnp
from jax import lax
from jax.experimental import pallas as pl
from jax.experimental.pallas import tpu as pltpu
from jax.experimental.pallas import tpu_sc as plsc

N = 10000
E = 320000
D = 128
ED = 16
H = D // 2

NC = 2
NS = 16
L = 16
B = 128
NB = 160
EPT = NB * B
EPAD = NS * EPT
NPAD = 10112
SLAB = NPAD // NS


def _rea_body(ea_ref, we_ref, be_ref, out_ref):
    out_ref[0] = (
        jnp.dot(ea_ref[...], we_ref[0], preferred_element_type=jnp.float32)
        + be_ref[0]
    )


_REA_MB = 2048


def _rea_call(ea_pad, We_t, be_t):
    return pl.pallas_call(
        _rea_body,
        grid=(NC, EPAD // _REA_MB),
        in_specs=[
            pl.BlockSpec((_REA_MB, ED), lambda i, j: (j, 0)),
            pl.BlockSpec((1, ED, H), lambda i, j: (i, 0, 0)),
            pl.BlockSpec((1, 1, H), lambda i, j: (i, 0, 0)),
        ],
        out_specs=pl.BlockSpec((1, _REA_MB, H), lambda i, j: (i, j, 0)),
        out_shape=jax.ShapeDtypeStruct((NC, EPAD, H), jnp.float32),
    )(ea_pad, We_t, be_t)


_SC_MESH = plsc.VectorSubcoreMesh(core_axis_name="c", subcore_axis_name="s")


@functools.partial(
    pl.kernel,
    out_type=jax.ShapeDtypeStruct((NC, NPAD, H), jnp.float32),
    mesh=_SC_MESH,
    scratch_types=[
        pltpu.VMEM((NB, B), jnp.int32),
        pltpu.VMEM((NB, B), jnp.int32),
        pltpu.VMEM((B, H), jnp.float32),
        pltpu.VMEM((B, H), jnp.float32),
        pltpu.VMEM((B, H), jnp.float32),
        pltpu.VMEM((B, H), jnp.float32),
        pltpu.VMEM((B, H), jnp.float32),
        pltpu.VMEM((B, H), jnp.float32),
        pltpu.VMEM_SHARED((NPAD, H), jnp.float32),
        pltpu.SemaphoreType.DMA,
        pltpu.SemaphoreType.DMA,
        pltpu.SemaphoreType.DMA,
        pltpu.SemaphoreType.DMA,
        pltpu.SemaphoreType.DMA,
        pltpu.SemaphoreType.DMA,
    ],
    compiler_params=pltpu.CompilerParams(use_tc_tiling_on_sc=False),
)
def _sc_scatter(x_hbm, rea_hbm, src_hbm, dst_hbm, zer_hbm, part_hbm,
                src_v, dst_v, g0, g1, r0, r1, m0, m1, acc,
                gs0, gs1, rs0, rs1, ss0, ss1):
    c = lax.axis_index("c")
    s = lax.axis_index("s")

    pltpu.sync_copy(src_hbm.at[s], src_v)
    pltpu.sync_copy(dst_hbm.at[s], dst_v)
    pltpu.sync_copy(zer_hbm, acc.at[pl.ds(s * SLAB, SLAB)])
    plsc.subcore_barrier()

    ebase = s * EPT
    xh = x_hbm.at[c]
    gbufs = (g0, g1)
    rbufs = (r0, r1)
    mbufs = (m0, m1)
    gsems = (gs0, gs1)
    rsems = (rs0, rs1)
    ssems = (ss0, ss1)

    for k in range(2):
        pltpu.async_copy(xh.at[src_v.at[k]], gbufs[k], gsems[k])
        pltpu.async_copy(
            rea_hbm.at[c, pl.ds(ebase + k * B, B)], rbufs[k], rsems[k])

    def outer(jo, carry):
        for k in range(2):
            j = jo * 2 + k
            g, r, m = gbufs[k], rbufs[k], mbufs[k]
            pltpu.make_async_copy(xh.at[src_v.at[j]], g, gsems[k]).wait()
            pltpu.make_async_copy(
                rea_hbm.at[c, pl.ds(ebase + j * B, B)], r, rsems[k]).wait()

            @pl.when(jo > 0)
            def _():
                pltpu.make_async_copy(m, acc.at[dst_v.at[j]], ssems[k]).wait()

            def edge(e, carry2):
                for cc in range(H // L):
                    sl = pl.ds(cc * L, L)
                    m[e, sl] = jnp.maximum(g[e, sl] + r[e, sl], 0.0)
                return carry2

            lax.fori_loop(0, B, edge, 0)

            pltpu.async_copy(m, acc.at[dst_v.at[j]], ssems[k], add=True)

            @pl.when(jo < NB // 2 - 1)
            def _():
                jn = j + 2
                pltpu.async_copy(xh.at[src_v.at[jn]], g, gsems[k])
                pltpu.async_copy(
                    rea_hbm.at[c, pl.ds(ebase + jn * B, B)], r, rsems[k])
        return carry

    lax.fori_loop(0, NB // 2, outer, 0)

    for k in range(2):
        pltpu.make_async_copy(
            mbufs[k], acc.at[dst_v.at[NB - 2 + k]], ssems[k]).wait()
    plsc.subcore_barrier()
    pltpu.sync_copy(acc.at[pl.ds(s * SLAB, SLAB)],
                    part_hbm.at[c, pl.ds(s * SLAB, SLAB)])


def _mlp_body(sc_ref, x_ref, p_ref, w1_ref, b1_ref, gm_ref, bt_ref,
              w2_ref, b2_ref, o_ref):
    mr = jnp.concatenate([p_ref[0], p_ref[1]], axis=-1)
    h = x_ref[...] * sc_ref[0] + mr
    h = jnp.dot(h, w1_ref[...], preferred_element_type=jnp.float32) + b1_ref[...]
    mu = jnp.mean(h, axis=-1, keepdims=True)
    var = jnp.mean((h - mu) ** 2, axis=-1, keepdims=True)
    h = (h - mu) * lax.rsqrt(var + 1e-5) * gm_ref[...] + bt_ref[...]
    h = jnp.maximum(h, 0.0)
    o_ref[...] = (
        jnp.dot(h, w2_ref[...], preferred_element_type=jnp.float32) + b2_ref[...]
    )


_MLP_R = 1000


def _mlp_call(scale, x, parts, W1, b1_row, gm_row, bt_row, W2, b2_row):
    return pl.pallas_call(
        _mlp_body,
        grid=(N // _MLP_R,),
        in_specs=[
            pl.BlockSpec(memory_space=pltpu.SMEM),
            pl.BlockSpec((_MLP_R, D), lambda i: (i, 0)),
            pl.BlockSpec((NC, _MLP_R, H), lambda i: (0, i, 0)),
            pl.BlockSpec((D, 2 * D), lambda i: (0, 0)),
            pl.BlockSpec((1, 2 * D), lambda i: (0, 0)),
            pl.BlockSpec((1, 2 * D), lambda i: (0, 0)),
            pl.BlockSpec((1, 2 * D), lambda i: (0, 0)),
            pl.BlockSpec((2 * D, D), lambda i: (0, 0)),
            pl.BlockSpec((1, D), lambda i: (0, 0)),
        ],
        out_specs=pl.BlockSpec((_MLP_R, D), lambda i: (i, 0)),
        out_shape=jax.ShapeDtypeStruct((N, D), jnp.float32),
    )(scale, x, parts, W1, b1_row, gm_row, bt_row, W2, b2_row)


def kernel(x, edge_index, edge_attr, We, be, W1, b1, gamma, beta, W2, b2, eps):
    ei = edge_index.astype(jnp.int32)
    src = ei[1]
    dst = ei[0]
    pad = EPAD - E
    src_p = jnp.concatenate(
        [src, jnp.zeros((pad,), jnp.int32)]).reshape(NS, NB, B)
    dst_p = jnp.concatenate(
        [dst, jnp.full((pad,), N, jnp.int32)]).reshape(NS, NB, B)
    ea_p = jnp.concatenate(
        [edge_attr, jnp.zeros((pad, ED), edge_attr.dtype)], axis=0)
    xt = x.reshape(N, NC, H).transpose(1, 0, 2)

    We_t = We.reshape(ED, NC, H).transpose(1, 0, 2)
    be_t = be.reshape(NC, 1, H)
    rea = _rea_call(ea_p, We_t, be_t)
    zer = jnp.zeros((SLAB, H), jnp.float32)
    parts = _sc_scatter(xt, rea, src_p, dst_p, zer)

    scale = (1.0 + eps).astype(jnp.float32).reshape(1)
    out = _mlp_call(scale, x, parts[:, :N, :], W1,
                    b1.reshape(1, 2 * D), gamma.reshape(1, 2 * D),
                    beta.reshape(1, 2 * D), W2, b2.reshape(1, D))
    return out

# --- scband reference (transcript-rebuilt; emitter-appended) ---
"""Pipeline reference for scband-my-ginconv-31456340476230 (READ-ONLY COPY).

The authoritative reference and input builder live on the scoring server;
editing this copy changes nothing except your own understanding.
"""

import jax, jax.numpy as jnp
import numpy as np

N = 10000
E = 320000
D = 128
ED = 16


def setup_inputs(seed: int = 0) -> dict:
    key = jax.random.key(seed)
    ks = jax.random.split(key, 8)
    x = jax.random.normal(ks[0], (N, D), dtype=jnp.float32)
    edge_index = jax.random.randint(ks[1], (2, E), 0, N, dtype=jnp.int64)
    edge_attr = jax.random.normal(ks[2], (E, ED), dtype=jnp.float32)
    We = jax.random.normal(ks[3], (ED, D), dtype=jnp.float32) * 0.1
    be = jnp.zeros((D,), dtype=jnp.float32)
    W1 = jax.random.normal(ks[4], (D, 2 * D), dtype=jnp.float32) * 0.05
    b1 = jnp.zeros((2 * D,), dtype=jnp.float32)
    gamma = jnp.ones((2 * D,), dtype=jnp.float32)
    beta = jnp.zeros((2 * D,), dtype=jnp.float32)
    W2 = jax.random.normal(ks[5], (2 * D, D), dtype=jnp.float32) * 0.05
    b2 = jnp.zeros((D,), dtype=jnp.float32)
    eps = jnp.zeros((), dtype=jnp.float32)
    return {"x": x, "edge_index": edge_index, "edge_attr": edge_attr,
            "We": We, "be": be, "W1": W1, "b1": b1,
            "gamma": gamma, "beta": beta, "W2": W2, "b2": b2, "eps": eps}


def reference(x, edge_index, edge_attr, We, be, W1, b1, gamma, beta, W2, b2, eps):
    # org_mask is None branch: real_edge_attr = lin_edge(edge_attr)
    real_edge_attr = edge_attr @ We + be
    # message = relu(x[src=edge_index[1]] + real_edge_attr)
    message = jax.nn.relu(jnp.take(x, edge_index[1], axis=0) + real_edge_attr)
    # scatter-add into dst=edge_index[0]
    message_reduce = jnp.zeros((x.shape[0], x.shape[1]), dtype=message.dtype)
    message_reduce = message_reduce.at[edge_index[0]].add(message)
    h = (1.0 + eps) * x + message_reduce
    # mlp: Linear -> LayerNorm -> ReLU -> Linear
    h = h @ W1 + b1
    mu = jnp.mean(h, axis=-1, keepdims=True)
    var = jnp.var(h, axis=-1, keepdims=True)
    h = (h - mu) / jnp.sqrt(var + 1e-5) * gamma + beta
    h = jax.nn.relu(h)
    out = h @ W2 + b2
    return out

if __name__ == "__main__":
    import jax
    _d = setup_inputs()
    print(jax.jit(kernel)(*tuple(_d.values())))

</pallas_src>

<mosaic_0001>
#map = affine_map<(d0, d1) -> (0, 0, 0)>
#map1 = affine_map<(d0, d1) -> (0, 0)>
module attributes {stable_mosaic.version = 14 : i64} {
  func.func @_sc_scatter(%arg0: i32, %arg1: i32, %arg2: memref<2x10000x64xf32, #tpu.memory_space<hbm>>, %arg3: memref<2x327680x64xf32, #tpu.memory_space<hbm>>, %arg4: memref<16x160x128xi32, #tpu.memory_space<hbm>>, %arg5: memref<16x160x128xi32, #tpu.memory_space<hbm>>, %arg6: memref<632x64xf32, #tpu.memory_space<hbm>>, %arg7: memref<2x10112x64xf32, #tpu.memory_space<hbm>>, %arg8: memref<160x128xi32, #tpu.memory_space<vmem>>, %arg9: memref<160x128xi32, #tpu.memory_space<vmem>>, %arg10: memref<128x64xf32, #tpu.memory_space<vmem>>, %arg11: memref<128x64xf32, #tpu.memory_space<vmem>>, %arg12: memref<128x64xf32, #tpu.memory_space<vmem>>, %arg13: memref<128x64xf32, #tpu.memory_space<vmem>>, %arg14: memref<128x64xf32, #tpu.memory_space<vmem>>, %arg15: memref<128x64xf32, #tpu.memory_space<vmem>>, %arg16: memref<10112x64xf32, #tpu.memory_space<vmem_shared>>, %arg17: memref<!tpu.dma_semaphore, #tpu.memory_space<semaphore_mem>>, %arg18: memref<!tpu.dma_semaphore, #tpu.memory_space<semaphore_mem>>, %arg19: memref<!tpu.dma_semaphore, #tpu.memory_space<semaphore_mem>>, %arg20: memref<!tpu.dma_semaphore, #tpu.memory_space<semaphore_mem>>, %arg21: memref<!tpu.dma_semaphore, #tpu.memory_space<semaphore_mem>>, %arg22: memref<!tpu.dma_semaphore, #tpu.memory_space<semaphore_mem>>) attributes {dimension_semantics = [#tpu.dimension_semantics<core_parallel>, #tpu.dimension_semantics<subcore_parallel>], iteration_bounds = array<i64: 2, 16>, scalar_prefetch = 0 : i64, scratch_operands = 15 : i64, tpu.core_type = #tpu.core_type<sc_vector_subcore>, window_params = [{transform_indices = #map}, {transform_indices = #map}, {transform_indices = #map}, {transform_indices = #map}, {transform_indices = #map1}, {transform_indices = #map}]} {
    "tpu.region"() ({
      %run_scoped3A = tpu.sem_alloc : memref<!tpu.dma_semaphore, #tpu.memory_space<semaphore_mem>>
      %dma_start3A_62 = arith.constant 0 : i32
      %dma_start3A_63 = arith.constant 0 : i32
      %dma_start3A_64 = tpu.memref_slice %arg4[%arg1, %dma_start3A_62, %dma_start3A_63] : memref<16x160x128xi32, #tpu.memory_space<hbm>> -> memref<1x160x128xi32, #tpu.memory_space<hbm>>
      %dma_start3A_65 = tpu.memref_squeeze %dma_start3A_64 : memref<1x160x128xi32, #tpu.memory_space<hbm>> -> memref<160x128xi32, #tpu.memory_space<hbm>>
      %dma_start3A_66 = arith.constant 0 : i32
      %dma_start3A_67 = arith.constant 0 : i32
      %dma_start3A_68 = tpu.memref_slice %arg4[%arg1, %dma_start3A_66, %dma_start3A_67] : memref<16x160x128xi32, #tpu.memory_space<hbm>> -> memref<1x160x128xi32, #tpu.memory_space<hbm>>
      %dma_start3A_69 = tpu.memref_squeeze %dma_start3A_68 : memref<1x160x128xi32, #tpu.memory_space<hbm>> -> memref<160x128xi32, #tpu.memory_space<hbm>>
      tpu.enqueue_dma source(%dma_start3A_69 : memref<160x128xi32, #tpu.memory_space<hbm>>) target(%arg8 : memref<160x128xi32, #tpu.memory_space<vmem>>) target_semaphore(%run_scoped3A : memref<!tpu.dma_semaphore, #tpu.memory_space<semaphore_mem>>)
      %dma_wait3A_70 = arith.constant 0 : i32
      %dma_wait3A_71 = arith.constant 0 : i32
      %dma_wait3A_72 = tpu.memref_slice %arg4[%arg1, %dma_wait3A_70, %dma_wait3A_71] : memref<16x160x128xi32, #tpu.memory_space<hbm>> -> memref<1x160x128xi32, #tpu.memory_space<hbm>>
      %dma_wait3A_73 = tpu.memref_squeeze %dma_wait3A_72 : memref<1x160x128xi32, #tpu.memory_space<hbm>> -> memref<160x128xi32, #tpu.memory_space<hbm>>
      %dma_wait3A_74 = arith.constant 0 : i32
      %dma_wait3A_75 = arith.constant 0 : i32
      %dma_wait3A_76 = tpu.memref_slice %arg4[%arg1, %dma_wait3A_74, %dma_wait3A_75] : memref<16x160x128xi32, #tpu.memory_space<hbm>> -> memref<1x160x128xi32, #tpu.memory_space<hbm>>
      %dma_wait3A_77 = tpu.memref_squeeze %dma_wait3A_76 : memref<1x160x128xi32, #tpu.memory_space<hbm>> -> memref<160x128xi32, #tpu.memory_space<hbm>>
      tpu.wait_dma2 semaphore(%run_scoped3A : memref<!tpu.dma_semaphore, #tpu.memory_space<semaphore_mem>>) src(%dma_wait3A_77 : memref<160x128xi32, #tpu.memory_space<hbm>>) dst(%arg8 : memref<160x128xi32, #tpu.memory_space<vmem>>)
      tpu.yield
    }) : () -> ()
    "tpu.region"() ({
      %run_scoped3A = tpu.sem_alloc : memref<!tpu.dma_semaphore, #tpu.memory_space<semaphore_mem>>
      %dma_start3A_62 = arith.constant 0 : i32
      %dma_start3A_63 = arith.constant 0 : i32
      %dma_start3A_64 = tpu.memref_slice %arg5[%arg1, %dma_start3A_62, %dma_start3A_63] : memref<16x160x128xi32, #tpu.memory_space<hbm>> -> memref<1x160x128xi32, #tpu.memory_space<hbm>>
      %dma_start3A_65 = tpu.memref_squeeze %dma_start3A_64 : memref<1x160x128xi32, #tpu.memory_space<hbm>> -> memref<160x128xi32, #tpu.memory_space<hbm>>
      %dma_start3A_66 = arith.constant 0 : i32
      %dma_start3A_67 = arith.constant 0 : i32
      %dma_start3A_68 = tpu.memref_slice %arg5[%arg1, %dma_start3A_66, %dma_start3A_67] : memref<16x160x128xi32, #tpu.memory_space<hbm>> -> memref<1x160x128xi32, #tpu.memory_space<hbm>>
      %dma_start3A_69 = tpu.memref_squeeze %dma_start3A_68 : memref<1x160x128xi32, #tpu.memory_space<hbm>> -> memref<160x128xi32, #tpu.memory_space<hbm>>
      tpu.enqueue_dma source(%dma_start3A_69 : memref<160x128xi32, #tpu.memory_space<hbm>>) target(%arg9 : memref<160x128xi32, #tpu.memory_space<vmem>>) target_semaphore(%run_scoped3A : memref<!tpu.dma_semaphore, #tpu.memory_space<semaphore_mem>>)
      %dma_wait3A_70 = arith.constant 0 : i32
      %dma_wait3A_71 = arith.constant 0 : i32
      %dma_wait3A_72 = tpu.memref_slice %arg5[%arg1, %dma_wait3A_70, %dma_wait3A_71] : memref<16x160x128xi32, #tpu.memory_space<hbm>> -> memref<1x160x128xi32, #tpu.memory_space<hbm>>
      %dma_wait3A_73 = tpu.memref_squeeze %dma_wait3A_72 : memref<1x160x128xi32, #tpu.memory_space<hbm>> -> memref<160x128xi32, #tpu.memory_space<hbm>>
      %dma_wait3A_74 = arith.constant 0 : i32
      %dma_wait3A_75 = arith.constant 0 : i32
      %dma_wait3A_76 = tpu.memref_slice %arg5[%arg1, %dma_wait3A_74, %dma_wait3A_75] : memref<16x160x128xi32, #tpu.memory_space<hbm>> -> memref<1x160x128xi32, #tpu.memory_space<hbm>>
      %dma_wait3A_77 = tpu.memref_squeeze %dma_wait3A_76 : memref<1x160x128xi32, #tpu.memory_space<hbm>> -> memref<160x128xi32, #tpu.memory_space<hbm>>
      tpu.wait_dma2 semaphore(%run_scoped3A : memref<!tpu.dma_semaphore, #tpu.memory_space<semaphore_mem>>) src(%dma_wait3A_77 : memref<160x128xi32, #tpu.memory_space<hbm>>) dst(%arg9 : memref<160x128xi32, #tpu.memory_space<vmem>>)
      tpu.yield
    }) : () -> ()
    %mul3A = arith.constant 632 : i32
    %mul3A_0 = arith.muli %arg1, %mul3A : i32
    "tpu.region"() ({
      %run_scoped3A = tpu.sem_alloc : memref<!tpu.dma_semaphore, #tpu.memory_space<semaphore_mem>>
      %dma_start3A_62 = arith.constant 0 : i32
      %dma_start3A_63 = tpu.memref_slice %arg16[%mul3A_0, %dma_start3A_62] : memref<10112x64xf32, #tpu.memory_space<vmem_shared>> -> memref<632x64xf32, #tpu.memory_space<vmem_shared>>
      tpu.enqueue_dma source(%arg6 : memref<632x64xf32, #tpu.memory_space<hbm>>) target(%dma_start3A_63 : memref<632x64xf32, #tpu.memory_space<vmem_shared>>) target_semaphore(%run_scoped3A : memref<!tpu.dma_semaphore, #tpu.memory_space<semaphore_mem>>)
      %dma_wait3A_64 = arith.constant 0 : i32
      %dma_wait3A_65 = tpu.memref_slice %arg16[%mul3A_0, %dma_wait3A_64] : memref<10112x64xf32, #tpu.memory_space<vmem_shared>> -> memref<632x64xf32, #tpu.memory_space<vmem_shared>>
      tpu.wait_dma2 semaphore(%run_scoped3A : memref<!tpu.dma_semaphore, #tpu.memory_space<semaphore_mem>>) src(%arg6 : memref<632x64xf32, #tpu.memory_space<hbm>>) dst(%dma_wait3A_65 : memref<632x64xf32, #tpu.memory_space<vmem_shared>>)
      tpu.yield
    }) : () -> ()
    %barrier3A = arith.constant 0 : index
    tpu.barrier barrier_id(%barrier3A)
    %mul3A_1 = arith.constant 20480 : i32
    %mul3A_2 = arith.muli %arg1, %mul3A_1 : i32
    %dma_start3A = arith.constant 0 : i32
    %dma_start3A_3 = arith.constant 0 : i32
    %dma_start3A_4 = tpu.memref_slice %arg8[%dma_start3A, %dma_start3A_3] : memref<160x128xi32, #tpu.memory_space<vmem>> -> memref<1x128xi32, #tpu.memory_space<vmem>>
    %dma_start3A_5 = tpu.memref_squeeze %dma_start3A_4 : memref<1x128xi32, #tpu.memory_space<vmem>> -> memref<128xi32, #tpu.memory_space<vmem>>
    %dma_start3A_6 = arith.constant 0 : i32
    %dma_start3A_7 = arith.constant 0 : i32
    %dma_start3A_8 = tpu.memref_slice %arg2[%arg0, %dma_start3A_6, %dma_start3A_7] : memref<2x10000x64xf32, #tpu.memory_space<hbm>> -> memref<1x10000x64xf32, #tpu.memory_space<hbm>>
    %dma_start3A_9 = tpu.memref_squeeze %dma_start3A_8 : memref<1x10000x64xf32, #tpu.memory_space<hbm>> -> memref<10000x64xf32, #tpu.memory_space<hbm>>
    %dma_start3A_10 = arith.constant 0 : i32
    %dma_start3A_11 = arith.constant 0 : i32
    %dma_start3A_12 = tpu.memref_slice %dma_start3A_9[%dma_start3A_10, %dma_start3A_11] : memref<10000x64xf32, #tpu.memory_space<hbm>> -> memref<10000x64xf32, #tpu.memory_space<hbm>>
    tpu.enqueue_indirect_dma source(%dma_start3A_12 : memref<10000x64xf32, #tpu.memory_space<hbm>>) target(%arg10 : memref<128x64xf32, #tpu.memory_space<vmem>>) offsets(%dma_start3A_5 : memref<128xi32, #tpu.memory_space<vmem>>) semaphore(%arg17 : memref<!tpu.dma_semaphore, #tpu.memory_space<semaphore_mem>>)
    %add3A = arith.constant 0 : i32
    %add3A_13 = arith.addi %mul3A_2, %add3A : i32
    %dma_start3A_14 = arith.constant 0 : i32
    %dma_start3A_15 = tpu.memref_slice %arg3[%arg0, %add3A_13, %dma_start3A_14] : memref<2x327680x64xf32, #tpu.memory_space<hbm>> -> memref<1x128x64xf32, #tpu.memory_space<hbm>>
    %dma_start3A_16 = tpu.memref_squeeze %dma_start3A_15 : memref<1x128x64xf32, #tpu.memory_space<hbm>> -> memref<128x64xf32, #tpu.memory_space<hbm>>
    %dma_start3A_17 = arith.constant 0 : i32
    %dma_start3A_18 = tpu.memref_slice %arg3[%arg0, %add3A_13, %dma_start3A_17] : memref<2x327680x64xf32, #tpu.memory_space<hbm>> -> memref<1x128x64xf32, #tpu.memory_space<hbm>>
    %dma_start3A_19 = tpu.memref_squeeze %dma_start3A_18 : memref<1x128x64xf32, #tpu.memory_space<hbm>> -> memref<128x64xf32, #tpu.memory_space<hbm>>
    tpu.enqueue_dma source(%dma_start3A_19 : memref<128x64xf32, #tpu.memory_space<hbm>>) target(%arg12 : memref<128x64xf32, #tpu.memory_space<vmem>>) target_semaphore(%arg19 : memref<!tpu.dma_semaphore, #tpu.memory_space<semaphore_mem>>)
    %dma_start3A_20 = arith.constant 1 : i32
    %dma_start3A_21 = arith.constant 0 : i32
    %dma_start3A_22 = tpu.memref_slice %arg8[%dma_start3A_20, %dma_start3A_21] : memref<160x128xi32, #tpu.memory_space<vmem>> -> memref<1x128xi32, #tpu.memory_space<vmem>>
    %dma_start3A_23 = tpu.memref_squeeze %dma_start3A_22 : memref<1x128xi32, #tpu.memory_space<vmem>> -> memref<128xi32, #tpu.memory_space<vmem>>
    %dma_start3A_24 = arith.constant 0 : i32
    %dma_start3A_25 = arith.constant 0 : i32
    %dma_start3A_26 = tpu.memref_slice %arg2[%arg0, %dma_start3A_24, %dma_start3A_25] : memref<2x10000x64xf32, #tpu.memory_space<hbm>> -> memref<1x10000x64xf32, #tpu.memory_space<hbm>>
    %dma_start3A_27 = tpu.memref_squeeze %dma_start3A_26 : memref<1x10000x64xf32, #tpu.memory_space<hbm>> -> memref<10000x64xf32, #tpu.memory_space<hbm>>
    %dma_start3A_28 = arith.constant 0 : i32
    %dma_start3A_29 = arith.constant 0 : i32
    %dma_start3A_30 = tpu.memref_slice %dma_start3A_27[%dma_start3A_28, %dma_start3A_29] : memref<10000x64xf32, #tpu.memory_space<hbm>> -> memref<10000x64xf32, #tpu.memory_space<hbm>>
    tpu.enqueue_indirect_dma source(%dma_start3A_30 : memref<10000x64xf32, #tpu.memory_space<hbm>>) target(%arg11 : memref<128x64xf32, #tpu.memory_space<vmem>>) offsets(%dma_start3A_23 : memref<128xi32, #tpu.memory_space<vmem>>) semaphore(%arg18 : memref<!tpu.dma_semaphore, #tpu.memory_space<semaphore_mem>>)
    %add3A_31 = arith.constant 128 : i32
    %add3A_32 = arith.addi %mul3A_2, %add3A_31 : i32
    %dma_start3A_33 = arith.constant 0 : i32
    %dma_start3A_34 = tpu.memref_slice %arg3[%arg0, %add3A_32, %dma_start3A_33] : memref<2x327680x64xf32, #tpu.memory_space<hbm>> -> memref<1x128x64xf32, #tpu.memory_space<hbm>>
    %dma_start3A_35 = tpu.memref_squeeze %dma_start3A_34 : memref<1x128x64xf32, #tpu.memory_space<hbm>> -> memref<128x64xf32, #tpu.memory_space<hbm>>
    %dma_start3A_36 = arith.constant 0 : i32
    %dma_start3A_37 = tpu.memref_slice %arg3[%arg0, %add3A_32, %dma_start3A_36] : memref<2x327680x64xf32, #tpu.memory_space<hbm>> -> memref<1x128x64xf32, #tpu.memory_space<hbm>>
    %dma_start3A_38 = tpu.memref_squeeze %dma_start3A_37 : memref<1x128x64xf32, #tpu.memory_space<hbm>> -> memref<128x64xf32, #tpu.memory_space<hbm>>
    tpu.enqueue_dma source(%dma_start3A_38 : memref<128x64xf32, #tpu.memory_space<hbm>>) target(%arg13 : memref<128x64xf32, #tpu.memory_space<vmem>>) target_semaphore(%arg20 : memref<!tpu.dma_semaphore, #tpu.memory_space<semaphore_mem>>)
    %scan3A = arith.constant 0 : i32
    %scan3A_39 = arith.constant 0 : i32
    %scan3A_40 = arith.constant 80 : i32
    %scan3A_41 = arith.addi %scan3A_39, %scan3A_40 : i32
    %scan3A_42 = arith.constant 1 : i32
    scf.for %scan3A_62 = %scan3A_39 to %scan3A_41 step %scan3A_42  : i32 {
      %mul3A_63 = arith.constant 2 : i32
      %mul3A_64 = arith.muli %scan3A_62, %mul3A_63 : i32
      %add3A_65 = arith.constant 0 : i32
      %add3A_66 = arith.addi %mul3A_64, %add3A_65 : i32
      %dma_wait3A_67 = arith.constant 0 : i32
      %dma_wait3A_68 = tpu.memref_slice %arg8[%add3A_66, %dma_wait3A_67] : memref<160x128xi32, #tpu.memory_space<vmem>> -> memref<1x128xi32, #tpu.memory_space<vmem>>
      %dma_wait3A_69 = tpu.memref_squeeze %dma_wait3A_68 : memref<1x128xi32, #tpu.memory_space<vmem>> -> memref<128xi32, #tpu.memory_space<vmem>>
      %dma_wait3A_70 = arith.constant 0 : i32
      %dma_wait3A_71 = arith.constant 0 : i32
      %dma_wait3A_72 = tpu.memref_slice %arg2[%arg0, %dma_wait3A_70, %dma_wait3A_71] : memref<2x10000x64xf32, #tpu.memory_space<hbm>> -> memref<1x10000x64xf32, #tpu.memory_space<hbm>>
      %dma_wait3A_73 = tpu.memref_squeeze %dma_wait3A_72 : memref<1x10000x64xf32, #tpu.memory_space<hbm>> -> memref<10000x64xf32, #tpu.memory_space<hbm>>
      %dma_wait3A_74 = arith.constant 0 : i32
      %dma_wait3A_75 = arith.constant 0 : i32
      %dma_wait3A_76 = tpu.memref_slice %dma_wait3A_73[%dma_wait3A_74, %dma_wait3A_75] : memref<10000x64xf32, #tpu.memory_space<hbm>> -> memref<10000x64xf32, #tpu.memory_space<hbm>>
      tpu.wait_indirect_dma semaphore(%arg17 : memref<!tpu.dma_semaphore, #tpu.memory_space<semaphore_mem>>) src(%dma_wait3A_76 : memref<10000x64xf32, #tpu.memory_space<hbm>>) dst(%arg10 : memref<128x64xf32, #tpu.memory_space<vmem>>)
      %mul3A_77 = arith.constant 128 : i32
      %mul3A_78 = arith.muli %add3A_66, %mul3A_77 : i32
      %add3A_79 = arith.addi %mul3A_2, %mul3A_78 : i32
      %dma_wait3A_80 = arith.constant 0 : i32
      %dma_wait3A_81 = tpu.memref_slice %arg3[%arg0, %add3A_79, %dma_wait3A_80] : memref<2x327680x64xf32, #tpu.memory_space<hbm>> -> memref<1x128x64xf32, #tpu.memory_space<hbm>>
      %dma_wait3A_82 = tpu.memref_squeeze %dma_wait3A_81 : memref<1x128x64xf32, #tpu.memory_space<hbm>> -> memref<128x64xf32, #tpu.memory_space<hbm>>
      %dma_wait3A_83 = arith.constant 0 : i32
      %dma_wait3A_84 = tpu.memref_slice %arg3[%arg0, %add3A_79, %dma_wait3A_83] : memref<2x327680x64xf32, #tpu.memory_space<hbm>> -> memref<1x128x64xf32, #tpu.memory_space<hbm>>
      %dma_wait3A_85 = tpu.memref_squeeze %dma_wait3A_84 : memref<1x128x64xf32, #tpu.memory_space<hbm>> -> memref<128x64xf32, #tpu.memory_space<hbm>>
      tpu.wait_dma2 semaphore(%arg19 : memref<!tpu.dma_semaphore, #tpu.memory_space<semaphore_mem>>) src(%dma_wait3A_85 : memref<128x64xf32, #tpu.memory_space<hbm>>) dst(%arg12 : memref<128x64xf32, #tpu.memory_space<vmem>>)
      %gt3A = arith.constant 0 : i32
      %gt3A_86 = arith.cmpi sgt, %scan3A_62, %gt3A : i32
      %convert_element_type3A = arith.extui %gt3A_86 : i1 to i32
      %cond3A = arith.constant 0 : i32
      %cond3A_87 = arith.cmpi ne, %convert_element_type3A, %cond3A : i32
      scf.if %cond3A_87 {
        %dma_wait3A_149 = arith.constant 0 : i32
        %dma_wait3A_150 = tpu.memref_slice %arg9[%add3A_66, %dma_wait3A_149] : memref<160x128xi32, #tpu.memory_space<vmem>> -> memref<1x128xi32, #tpu.memory_space<vmem>>
        %dma_wait3A_151 = tpu.memref_squeeze %dma_wait3A_150 : memref<1x128xi32, #tpu.memory_space<vmem>> -> memref<128xi32, #tpu.memory_space<vmem>>
        %dma_wait3A_152 = arith.constant 0 : i32
        %dma_wait3A_153 = arith.constant 0 : i32
        %dma_wait3A_154 = tpu.memref_slice %arg16[%dma_wait3A_152, %dma_wait3A_153] : memref<10112x64xf32, #tpu.memory_space<vmem_shared>> -> memref<10112x64xf32, #tpu.memory_space<vmem_shared>>
        tpu.wait_indirect_dma semaphore(%arg21 : memref<!tpu.dma_semaphore, #tpu.memory_space<semaphore_mem>>) src(%arg14 : memref<128x64xf32, #tpu.memory_space<vmem>>) dst(%dma_wait3A_154 : memref<10112x64xf32, #tpu.memory_space<vmem_shared>>)
      } else {
      }
      %scan3A_88 = arith.constant 0 : i32
      %scan3A_89 = arith.constant 0 : i32
      %scan3A_90 = arith.constant 128 : i32
      %scan3A_91 = arith.addi %scan3A_89, %scan3A_90 : i32
      %scan3A_92 = arith.constant 1 : i32
      scf.for %scan3A_149 = %scan3A_89 to %scan3A_91 step %scan3A_92  : i32 {
        %get3A = arith.index_cast %scan3A_149 : i32 to index
        %get3A_150 = arith.constant 0 : index
        %get3A_151 = tpu.vector_load %arg10[%get3A, %get3A_150] {strides = array<i32>} : memref<128x64xf32, #tpu.memory_space<vmem>>, vector<1x16xf32>,
        %get3A_152 = vector.shape_cast %get3A_151 : vector<1x16xf32> to vector<16xf32>
        %get3A_153 = arith.index_cast %scan3A_149 : i32 to index
        %get3A_154 = arith.constant 0 : index
        %get3A_155 = tpu.vector_load %arg12[%get3A_153, %get3A_154] {strides = array<i32>} : memref<128x64xf32, #tpu.memory_space<vmem>>, vector<1x16xf32>,
        %get3A_156 = vector.shape_cast %get3A_155 : vector<1x16xf32> to vector<16xf32>
        %add3A_157 = arith.addf %get3A_152, %get3A_156 : vector<16xf32>
        %max3A = arith.constant 0.000000e+00 : f32
        %max3A_158 = vector.broadcast %max3A : f32 to vector<16xf32>
        %max3A_159 = arith.maximumf %add3A_157, %max3A_158 : vector<16xf32>
        %swap3A = arith.index_cast %scan3A_149 : i32 to index
        %swap3A_160 = arith.constant 0 : index
        %swap3A_161 = tpu.vector_load %arg14[%swap3A, %swap3A_160] {strides = array<i32>} : memref<128x64xf32, #tpu.memory_space<vmem>>, vector<1x16xf32>,
        %swap3A_162 = vector.shape_cast %swap3A_161 : vector<1x16xf32> to vector<16xf32>
        %swap3A_163 = vector.shape_cast %max3A_159 : vector<16xf32> to vector<1x16xf32>
        tpu.vector_store %arg14[%swap3A, %swap3A_160], %swap3A_163 {strides = array<i32>} : memref<128x64xf32, #tpu.memory_space<vmem>>, vector<1x16xf32>,
        %get3A_164 = arith.index_cast %scan3A_149 : i32 to index
        %get3A_165 = arith.constant 16 : index
        %get3A_166 = tpu.vector_load %arg10[%get3A_164, %get3A_165] {strides = array<i32>} : memref<128x64xf32, #tpu.memory_space<vmem>>, vector<1x16xf32>,
        %get3A_167 = vector.shape_cast %get3A_166 : vector<1x16xf32> to vector<16xf32>
        %get3A_168 = arith.index_cast %scan3A_149 : i32 to index
        %get3A_169 = arith.constant 16 : index
        %get3A_170 = tpu.vector_load %arg12[%get3A_168, %get3A_169] {strides = array<i32>} : memref<128x64xf32, #tpu.memory_space<vmem>>, vector<1x16xf32>,
        %get3A_171 = vector.shape_cast %get3A_170 : vector<1x16xf32> to vector<16xf32>
        %add3A_172 = arith.addf %get3A_167, %get3A_171 : vector<16xf32>
        %max3A_173 = arith.constant 0.000000e+00 : f32
        %max3A_174 = vector.broadcast %max3A_173 : f32 to vector<16xf32>
        %max3A_175 = arith.maximumf %add3A_172, %max3A_174 : vector<16xf32>
        %swap3A_176 = arith.index_cast %scan3A_149 : i32 to index
        %swap3A_177 = arith.constant 16 : index
        %swap3A_178 = tpu.vector_load %arg14[%swap3A_176, %swap3A_177] {strides = array<i32>} : memref<128x64xf32, #tpu.memory_space<vmem>>, vector<1x16xf32>,
        %swap3A_179 = vector.shape_cast %swap3A_178 : vector<1x16xf32> to vector<16xf32>
        %swap3A_180 = vector.shape_cast %max3A_175 : vector<16xf32> to vector<1x16xf32>
        tpu.vector_store %arg14[%swap3A_176, %swap3A_177], %swap3A_180 {strides = array<i32>} : memref<128x64xf32, #tpu.memory_space<vmem>>, vector<1x16xf32>,
        %get3A_181 = arith.index_cast %scan3A_149 : i32 to index
        %get3A_182 = arith.constant 32 : index
        %get3A_183 = tpu.vector_load %arg10[%get3A_181, %get3A_182] {strides = array<i32>} : memref<128x64xf32, #tpu.memory_space<vmem>>, vector<1x16xf32>,
        %get3A_184 = vector.shape_cast %get3A_183 : vector<1x16xf32> to vector<16xf32>
        %get3A_185 = arith.index_cast %scan3A_149 : i32 to index
        %get3A_186 = arith.constant 32 : index
        %get3A_187 = tpu.vector_load %arg12[%get3A_185, %get3A_186] {strides = array<i32>} : memref<128x64xf32, #tpu.memory_space<vmem>>, vector<1x16xf32>,
        %get3A_188 = vector.shape_cast %get3A_187 : vector<1x16xf32> to vector<16xf32>
        %add3A_189 = arith.addf %get3A_184, %get3A_188 : vector<16xf32>
        %max3A_190 = arith.constant 0.000000e+00 : f32
        %max3A_191 = vector.broadcast %max3A_190 : f32 to vector<16xf32>
        %max3A_192 = arith.maximumf %add3A_189, %max3A_191 : vector<16xf32>
        %swap3A_193 = arith.index_cast %scan3A_149 : i32 to index
        %swap3A_194 = arith.constant 32 : index
        %swap3A_195 = tpu.vector_load %arg14[%swap3A_193, %swap3A_194] {strides = array<i32>} : memref<128x64xf32, #tpu.memory_space<vmem>>, vector<1x16xf32>,
        %swap3A_196 = vector.shape_cast %swap3A_195 : vector<1x16xf32> to vector<16xf32>
        %swap3A_197 = vector.shape_cast %max3A_192 : vector<16xf32> to vector<1x16xf32>
        tpu.vector_store %arg14[%swap3A_193, %swap3A_194], %swap3A_197 {strides = array<i32>} : memref<128x64xf32, #tpu.memory_space<vmem>>, vector<1x16xf32>,
        %get3A_198 = arith.index_cast %scan3A_149 : i32 to index
        %get3A_199 = arith.constant 48 : index
        %get3A_200 = tpu.vector_load %arg10[%get3A_198, %get3A_199] {strides = array<i32>} : memref<128x64xf32, #tpu.memory_space<vmem>>, vector<1x16xf32>,
        %get3A_201 = vector.shape_cast %get3A_200 : vector<1x16xf32> to vector<16xf32>
        %get3A_202 = arith.index_cast %scan3A_149 : i32 to index
        %get3A_203 = arith.constant 48 : index
        %get3A_204 = tpu.vector_load %arg12[%get3A_202, %get3A_203] {strides = array<i32>} : memref<128x64xf32, #tpu.memory_space<vmem>>, vector<1x16xf32>,
        %get3A_205 = vector.shape_cast %get3A_204 : vector<1x16xf32> to vector<16xf32>
        %add3A_206 = arith.addf %get3A_201, %get3A_205 : vector<16xf32>
        %max3A_207 = arith.constant 0.000000e+00 : f32
        %max3A_208 = vector.broadcast %max3A_207 : f32 to vector<16xf32>
        %max3A_209 = arith.maximumf %add3A_206, %max3A_208 : vector<16xf32>
        %swap3A_210 = arith.index_cast %scan3A_149 : i32 to index
        %swap3A_211 = arith.constant 48 : index
        %swap3A_212 = tpu.vector_load %arg14[%swap3A_210, %swap3A_211] {strides = array<i32>} : memref<128x64xf32, #tpu.memory_space<vmem>>, vector<1x16xf32>,
        %swap3A_213 = vector.shape_cast %swap3A_212 : vector<1x16xf32> to vector<16xf32>
        %swap3A_214 = vector.shape_cast %max3A_209 : vector<16xf32> to vector<1x16xf32>
        tpu.vector_store %arg14[%swap3A_210, %swap3A_211], %swap3A_214 {strides = array<i32>} : memref<128x64xf32, #tpu.memory_space<vmem>>, vector<1x16xf32>,
      }
      %scan3A_93 = arith.constant 128 : i32
      %dma_start3A_94 = arith.constant 0 : i32
      %dma_start3A_95 = tpu.memref_slice %arg9[%add3A_66, %dma_start3A_94] : memref<160x128xi32, #tpu.memory_space<vmem>> -> memref<1x128xi32, #tpu.memory_space<vmem>>
      %dma_start3A_96 = tpu.memref_squeeze %dma_start3A_95 : memref<1x128xi32, #tpu.memory_space<vmem>> -> memref<128xi32, #tpu.memory_space<vmem>>
      %dma_start3A_97 = arith.constant 0 : i32
      %dma_start3A_98 = arith.constant 0 : i32
      %dma_start3A_99 = tpu.memref_slice %arg16[%dma_start3A_97, %dma_start3A_98] : memref<10112x64xf32, #tpu.memory_space<vmem_shared>> -> memref<10112x64xf32, #tpu.memory_space<vmem_shared>>
      tpu.enqueue_indirect_dma source(%arg14 : memref<128x64xf32, #tpu.memory_space<vmem>>) target(%dma_start3A_99 : memref<10112x64xf32, #tpu.memory_space<vmem_shared>>) offsets(%dma_start3A_96 : memref<128xi32, #tpu.memory_space<vmem>>) semaphore(%arg21 : memref<!tpu.dma_semaphore, #tpu.memory_space<semaphore_mem>>) {add = true}
      %lt3A = arith.constant 79 : i32
      %lt3A_100 = arith.cmpi slt, %scan3A_62, %lt3A : i32
      %convert_element_type3A_101 = arith.extui %lt3A_100 : i1 to i32
      %cond3A_102 = arith.constant 0 : i32
      %cond3A_103 = arith.cmpi ne, %convert_element_type3A_101, %cond3A_102 : i32
      scf.if %cond3A_103 {
        %add3A_149 = arith.constant 2 : i32
        %add3A_150 = arith.addi %add3A_66, %add3A_149 : i32
        %dma_start3A_151 = arith.constant 0 : i32
        %dma_start3A_152 = tpu.memref_slice %arg8[%add3A_150, %dma_start3A_151] : memref<160x128xi32, #tpu.memory_space<vmem>> -> memref<1x128xi32, #tpu.memory_space<vmem>>
        %dma_start3A_153 = tpu.memref_squeeze %dma_start3A_152 : memref<1x128xi32, #tpu.memory_space<vmem>> -> memref<128xi32, #tpu.memory_space<vmem>>
        %dma_start3A_154 = arith.constant 0 : i32
        %dma_start3A_155 = arith.constant 0 : i32
        %dma_start3A_156 = tpu.memref_slice %arg2[%arg0, %dma_start3A_154, %dma_start3A_155] : memref<2x10000x64xf32, #tpu.memory_space<hbm>> -> memref<1x10000x64xf32, #tpu.memory_space<hbm>>
        %dma_start3A_157 = tpu.memref_squeeze %dma_start3A_156 : memref<1x10000x64xf32, #tpu.memory_space<hbm>> -> memref<10000x64xf32, #tpu.memory_space<hbm>>
        %dma_start3A_158 = arith.constant 0 : i32
        %dma_start3A_159 = arith.constant 0 : i32
        %dma_start3A_160 = tpu.memref_slice %dma_start3A_157[%dma_start3A_158, %dma_start3A_159] : memref<10000x64xf32, #tpu.memory_space<hbm>> -> memref<10000x64xf32, #tpu.memory_space<hbm>>
        tpu.enqueue_indirect_dma source(%dma_start3A_160 : memref<10000x64xf32, #tpu.memory_space<hbm>>) target(%arg10 : memref<128x64xf32, #tpu.memory_space<vmem>>) offsets(%dma_start3A_153 : memref<128xi32, #tpu.memory_space<vmem>>) semaphore(%arg17 : memref<!tpu.dma_semaphore, #tpu.memory_space<semaphore_mem>>)
        %mul3A_161 = arith.constant 128 : i32
        %mul3A_162 = arith.muli %add3A_150, %mul3A_161 : i32
        %add3A_163 = arith.addi %mul3A_2, %mul3A_162 : i32
        %dma_start3A_164 = arith.constant 0 : i32
        %dma_start3A_165 = tpu.memref_slice %arg3[%arg0, %add3A_163, %dma_start3A_164] : memref<2x327680x64xf32, #tpu.memory_space<hbm>> -> memref<1x128x64xf32, #tpu.memory_space<hbm>>
        %dma_start3A_166 = tpu.memref_squeeze %dma_start3A_165 : memref<1x128x64xf32, #tpu.memory_space<hbm>> -> memref<128x64xf32, #tpu.memory_space<hbm>>
        %dma_start3A_167 = arith.constant 0 : i32
        %dma_start3A_168 = tpu.memref_slice %arg3[%arg0, %add3A_163, %dma_start3A_167] : memref<2x327680x64xf32, #tpu.memory_space<hbm>> -> memref<1x128x64xf32, #tpu.memory_space<hbm>>
        %dma_start3A_169 = tpu.memref_squeeze %dma_start3A_168 : memref<1x128x64xf32, #tpu.memory_space<hbm>> -> memref<128x64xf32, #tpu.memory_space<hbm>>
        tpu.enqueue_dma source(%dma_start3A_169 : memref<128x64xf32, #tpu.memory_space<hbm>>) target(%arg12 : memref<128x64xf32, #tpu.memory_space<vmem>>) target_semaphore(%arg19 : memref<!tpu.dma_semaphore, #tpu.memory_space<semaphore_mem>>)
      } else {
      }
      %mul3A_104 = arith.constant 2 : i32
      %mul3A_105 = arith.muli %scan3A_62, %mul3A_104 : i32
      %add3A_106 = arith.constant 1 : i32
      %add3A_107 = arith.addi %mul3A_105, %add3A_106 : i32
      %dma_wait3A_108 = arith.constant 0 : i32
      %dma_wait3A_109 = tpu.memref_slice %arg8[%add3A_107, %dma_wait3A_108] : memref<160x128xi32, #tpu.memory_space<vmem>> -> memref<1x128xi32, #tpu.memory_space<vmem>>
      %dma_wait3A_110 = tpu.memref_squeeze %dma_wait3A_109 : memref<1x128xi32, #tpu.memory_space<vmem>> -> memref<128xi32, #tpu.memory_space<vmem>>
      %dma_wait3A_111 = arith.constant 0 : i32
      %dma_wait3A_112 = arith.constant 0 : i32
      %dma_wait3A_113 = tpu.memref_slice %arg2[%arg0, %dma_wait3A_111, %dma_wait3A_112] : memref<2x10000x64xf32, #tpu.memory_space<hbm>> -> memref<1x10000x64xf32, #tpu.memory_space<hbm>>
      %dma_wait3A_114 = tpu.memref_squeeze %dma_wait3A_113 : memref<1x10000x64xf32, #tpu.memory_space<hbm>> -> memref<10000x64xf32, #tpu.memory_space<hbm>>
      %dma_wait3A_115 = arith.constant 0 : i32
      %dma_wait3A_116 = arith.constant 0 : i32
      %dma_wait3A_117 = tpu.memref_slice %dma_wait3A_114[%dma_wait3A_115, %dma_wait3A_116] : memref<10000x64xf32, #tpu.memory_space<hbm>> -> memref<10000x64xf32, #tpu.memory_space<hbm>>
      tpu.wait_indirect_dma semaphore(%arg18 : memref<!tpu.dma_semaphore, #tpu.memory_space<semaphore_mem>>) src(%dma_wait3A_117 : memref<10000x64xf32, #tpu.memory_space<hbm>>) dst(%arg11 : memref<128x64xf32, #tpu.memory_space<vmem>>)
      %mul3A_118 = arith.constant 128 : i32
      %mul3A_119 = arith.muli %add3A_107, %mul3A_118 : i32
      %add3A_120 = arith.addi %mul3A_2, %mul3A_119 : i32
      %dma_wait3A_121 = arith.constant 0 : i32
      %dma_wait3A_122 = tpu.memref_slice %arg3[%arg0, %add3A_120, %dma_wait3A_121] : memref<2x327680x64xf32, #tpu.memory_space<hbm>> -> memref<1x128x64xf32, #tpu.memory_space<hbm>>
      %dma_wait3A_123 = tpu.memref_squeeze %dma_wait3A_122 : memref<1x128x64xf32, #tpu.memory_space<hbm>> -> memref<128x64xf32, #tpu.memory_space<hbm>>
      %dma_wait3A_124 = arith.constant 0 : i32
      %dma_wait3A_125 = tpu.memref_slice %arg3[%arg0, %add3A_120, %dma_wait3A_124] : memref<2x327680x64xf32, #tpu.memory_space<hbm>> -> memref<1x128x64xf32, #tpu.memory_space<hbm>>
      %dma_wait3A_126 = tpu.memref_squeeze %dma_wait3A_125 : memref<1x128x64xf32, #tpu.memory_space<hbm>> -> memref<128x64xf32, #tpu.memory_space<hbm>>
      tpu.wait_dma2 semaphore(%arg20 : memref<!tpu.dma_semaphore, #tpu.memory_space<semaphore_mem>>) src(%dma_wait3A_126 : memref<128x64xf32, #tpu.memory_space<hbm>>) dst(%arg13 : memref<128x64xf32, #tpu.memory_space<vmem>>)
      %gt3A_127 = arith.constant 0 : i32
      %gt3A_128 = arith.cmpi sgt, %scan3A_62, %gt3A_127 : i32
      %convert_element_type3A_129 = arith.extui %gt3A_128 : i1 to i32
      %cond3A_130 = arith.constant 0 : i32
      %cond3A_131 = arith.cmpi ne, %convert_element_type3A_129, %cond3A_130 : i32
      scf.if %cond3A_131 {
        %dma_wait3A_149 = arith.constant 0 : i32
        %dma_wait3A_150 = tpu.memref_slice %arg9[%add3A_107, %dma_wait3A_149] : memref<160x128xi32, #tpu.memory_space<vmem>> -> memref<1x128xi32, #tpu.memory_space<vmem>>
        %dma_wait3A_151 = tpu.memref_squeeze %dma_wait3A_150 : memref<1x128xi32, #tpu.memory_space<vmem>> -> memref<128xi32, #tpu.memory_space<vmem>>
        %dma_wait3A_152 = arith.constant 0 : i32
        %dma_wait3A_153 = arith.constant 0 : i32
        %dma_wait3A_154 = tpu.memref_slice %arg16[%dma_wait3A_152, %dma_wait3A_153] : memref<10112x64xf32, #tpu.memory_space<vmem_shared>> -> memref<10112x64xf32, #tpu.memory_space<vmem_shared>>
        tpu.wait_indirect_dma semaphore(%arg22 : memref<!tpu.dma_semaphore, #tpu.memory_space<semaphore_mem>>) src(%arg15 : memref<128x64xf32, #tpu.memory_space<vmem>>) dst(%dma_wait3A_154 : memref<10112x64xf32, #tpu.memory_space<vmem_shared>>)
      } else {
      }
      %scan3A_132 = arith.constant 0 : i32
      %scan3A_133 = arith.constant 0 : i32
      %scan3A_134 = arith.constant 128 : i32
      %scan3A_135 = arith.addi %scan3A_133, %scan3A_134 : i32
      %scan3A_136 = arith.constant 1 : i32
      scf.for %scan3A_149 = %scan3A_133 to %scan3A_135 step %scan3A_136  : i32 {
        %get3A = arith.index_cast %scan3A_149 : i32 to index
        %get3A_150 = arith.constant 0 : index
        %get3A_151 = tpu.vector_load %arg11[%get3A, %get3A_150] {strides = array<i32>} : memref<128x64xf32, #tpu.memory_space<vmem>>, vector<1x16xf32>,
        %get3A_152 = vector.shape_cast %get3A_151 : vector<1x16xf32> to vector<16xf32>
        %get3A_153 = arith.index_cast %scan3A_149 : i32 to index
        %get3A_154 = arith.constant 0 : index
        %get3A_155 = tpu.vector_load %arg13[%get3A_153, %get3A_154] {strides = array<i32>} : memref<128x64xf32, #tpu.memory_space<vmem>>, vector<1x16xf32>,
        %get3A_156 = vector.shape_cast %get3A_155 : vector<1x16xf32> to vector<16xf32>
        %add3A_157 = arith.addf %get3A_152, %get3A_156 : vector<16xf32>
        %max3A = arith.constant 0.000000e+00 : f32
        %max3A_158 = vector.broadcast %max3A : f32 to vector<16xf32>
        %max3A_159 = arith.maximumf %add3A_157, %max3A_158 : vector<16xf32>
        %swap3A = arith.index_cast %scan3A_149 : i32 to index
        %swap3A_160 = arith.constant 0 : index
        %swap3A_161 = tpu.vector_load %arg15[%swap3A, %swap3A_160] {strides = array<i32>} : memref<128x64xf32, #tpu.memory_space<vmem>>, vector<1x16xf32>,
        %swap3A_162 = vector.shape_cast %swap3A_161 : vector<1x16xf32> to vector<16xf32>
        %swap3A_163 = vector.shape_cast %max3A_159 : vector<16xf32> to vector<1x16xf32>
        tpu.vector_store %arg15[%swap3A, %swap3A_160], %swap3A_163 {strides = array<i32>} : memref<128x64xf32, #tpu.memory_space<vmem>>, vector<1x16xf32>,
        %get3A_164 = arith.index_cast %scan3A_149 : i32 to index
        %get3A_165 = arith.constant 16 : index
        %get3A_166 = tpu.vector_load %arg11[%get3A_164, %get3A_165] {strides = array<i32>} : memref<128x64xf32, #tpu.memory_space<vmem>>, vector<1x16xf32>,
        %get3A_167 = vector.shape_cast %get3A_166 : vector<1x16xf32> to vector<16xf32>
        %get3A_168 = arith.index_cast %scan3A_149 : i32 to index
        %get3A_169 = arith.constant 16 : index
        %get3A_170 = tpu.vector_load %arg13[%get3A_168, %get3A_169] {strides = array<i32>} : memref<128x64xf32, #tpu.memory_space<vmem>>, vector<1x16xf32>,
        %get3A_171 = vector.shape_cast %get3A_170 : vector<1x16xf32> to vector<16xf32>
        %add3A_172 = arith.addf %get3A_167, %get3A_171 : vector<16xf32>
        %max3A_173 = arith.constant 0.000000e+00 : f32
        %max3A_174 = vector.broadcast %max3A_173 : f32 to vector<16xf32>
        %max3A_175 = arith.maximumf %add3A_172, %max3A_174 : vector<16xf32>
        %swap3A_176 = arith.index_cast %scan3A_149 : i32 to index
        %swap3A_177 = arith.constant 16 : index
        %swap3A_178 = tpu.vector_load %arg15[%swap3A_176, %swap3A_177] {strides = array<i32>} : memref<128x64xf32, #tpu.memory_space<vmem>>, vector<1x16xf32>,
        %swap3A_179 = vector.shape_cast %swap3A_178 : vector<1x16xf32> to vector<16xf32>
        %swap3A_180 = vector.shape_cast %max3A_175 : vector<16xf32> to vector<1x16xf32>
        tpu.vector_store %arg15[%swap3A_176, %swap3A_177], %swap3A_180 {strides = array<i32>} : memref<128x64xf32, #tpu.memory_space<vmem>>, vector<1x16xf32>,
        %get3A_181 = arith.index_cast %scan3A_149 : i32 to index
        %get3A_182 = arith.constant 32 : index
        %get3A_183 = tpu.vector_load %arg11[%get3A_181, %get3A_182] {strides = array<i32>} : memref<128x64xf32, #tpu.memory_space<vmem>>, vector<1x16xf32>,
        %get3A_184 = vector.shape_cast %get3A_183 : vector<1x16xf32> to vector<16xf32>
        %get3A_185 = arith.index_cast %scan3A_149 : i32 to index
        %get3A_186 = arith.constant 32 : index
        %get3A_187 = tpu.vector_load %arg13[%get3A_185, %get3A_186] {strides = array<i32>} : memref<128x64xf32, #tpu.memory_space<vmem>>, vector<1x16xf32>,
        %get3A_188 = vector.shape_cast %get3A_187 : vector<1x16xf32> to vector<16xf32>
        %add3A_189 = arith.addf %get3A_184, %get3A_188 : vector<16xf32>
        %max3A_190 = arith.constant 0.000000e+00 : f32
        %max3A_191 = vector.broadcast %max3A_190 : f32 to vector<16xf32>
        %max3A_192 = arith.maximumf %add3A_189, %max3A_191 : vector<16xf32>
        %swap3A_193 = arith.index_cast %scan3A_149 : i32 to index
        %swap3A_194 = arith.constant 32 : index
        %swap3A_195 = tpu.vector_load %arg15[%swap3A_193, %swap3A_194] {strides = array<i32>} : memref<128x64xf32, #tpu.memory_space<vmem>>, vector<1x16xf32>,
        %swap3A_196 = vector.shape_cast %swap3A_195 : vector<1x16xf32> to vector<16xf32>
        %swap3A_197 = vector.shape_cast %max3A_192 : vector<16xf32> to vector<1x16xf32>
        tpu.vector_store %arg15[%swap3A_193, %swap3A_194], %swap3A_197 {strides = array<i32>} : memref<128x64xf32, #tpu.memory_space<vmem>>, vector<1x16xf32>,
        %get3A_198 = arith.index_cast %scan3A_149 : i32 to index
        %get3A_199 = arith.constant 48 : index
        %get3A_200 = tpu.vector_load %arg11[%get3A_198, %get3A_199] {strides = array<i32>} : memref<128x64xf32, #tpu.memory_space<vmem>>, vector<1x16xf32>,
        %get3A_201 = vector.shape_cast %get3A_200 : vector<1x16xf32> to vector<16xf32>
        %get3A_202 = arith.index_cast %scan3A_149 : i32 to index
        %get3A_203 = arith.constant 48 : index
        %get3A_204 = tpu.vector_load %arg13[%get3A_202, %get3A_203] {strides = array<i32>} : memref<128x64xf32, #tpu.memory_space<vmem>>, vector<1x16xf32>,
        %get3A_205 = vector.shape_cast %get3A_204 : vector<1x16xf32> to vector<16xf32>
        %add3A_206 = arith.addf %get3A_201, %get3A_205 : vector<16xf32>
        %max3A_207 = arith.constant 0.000000e+00 : f32
        %max3A_208 = vector.broadcast %max3A_207 : f32 to vector<16xf32>
        %max3A_209 = arith.maximumf %add3A_206, %max3A_208 : vector<16xf32>
        %swap3A_210 = arith.index_cast %scan3A_149 : i32 to index
        %swap3A_211 = arith.constant 48 : index
        %swap3A_212 = tpu.vector_load %arg15[%swap3A_210, %swap3A_211] {strides = array<i32>} : memref<128x64xf32, #tpu.memory_space<vmem>>, vector<1x16xf32>,
        %swap3A_213 = vector.shape_cast %swap3A_212 : vector<1x16xf32> to vector<16xf32>
        %swap3A_214 = vector.shape_cast %max3A_209 : vector<16xf32> to vector<1x16xf32>
        tpu.vector_store %arg15[%swap3A_210, %swap3A_211], %swap3A_214 {strides = array<i32>} : memref<128x64xf32, #tpu.memory_space<vmem>>, vector<1x16xf32>,
      }
      %scan3A_137 = arith.constant 128 : i32
      %dma_start3A_138 = arith.constant 0 : i32
      %dma_start3A_139 = tpu.memref_slice %arg9[%add3A_107, %dma_start3A_138] : memref<160x128xi32, #tpu.memory_space<vmem>> -> memref<1x128xi32, #tpu.memory_space<vmem>>
      %dma_start3A_140 = tpu.memref_squeeze %dma_start3A_139 : memref<1x128xi32, #tpu.memory_space<vmem>> -> memref<128xi32, #tpu.memory_space<vmem>>
      %dma_start3A_141 = arith.constant 0 : i32
      %dma_start3A_142 = arith.constant 0 : i32
      %dma_start3A_143 = tpu.memref_slice %arg16[%dma_start3A_141, %dma_start3A_142] : memref<10112x64xf32, #tpu.memory_space<vmem_shared>> -> memref<10112x64xf32, #tpu.memory_space<vmem_shared>>
      tpu.enqueue_indirect_dma source(%arg15 : memref<128x64xf32, #tpu.memory_space<vmem>>) target(%dma_start3A_143 : memref<10112x64xf32, #tpu.memory_space<vmem_shared>>) offsets(%dma_start3A_140 : memref<128xi32, #tpu.memory_space<vmem>>) semaphore(%arg22 : memref<!tpu.dma_semaphore, #tpu.memory_space<semaphore_mem>>) {add = true}
      %lt3A_144 = arith.constant 79 : i32
      %lt3A_145 = arith.cmpi slt, %scan3A_62, %lt3A_144 : i32
      %convert_element_type3A_146 = arith.extui %lt3A_145 : i1 to i32
      %cond3A_147 = arith.constant 0 : i32
      %cond3A_148 = arith.cmpi ne, %convert_element_type3A_146, %cond3A_147 : i32
      scf.if %cond3A_148 {
        %add3A_149 = arith.constant 2 : i32
        %add3A_150 = arith.addi %add3A_107, %add3A_149 : i32
        %dma_start3A_151 = arith.constant 0 : i32
        %dma_start3A_152 = tpu.memref_slice %arg8[%add3A_150, %dma_start3A_151] : memref<160x128xi32, #tpu.memory_space<vmem>> -> memref<1x128xi32, #tpu.memory_space<vmem>>
        %dma_start3A_153 = tpu.memref_squeeze %dma_start3A_152 : memref<1x128xi32, #tpu.memory_space<vmem>> -> memref<128xi32, #tpu.memory_space<vmem>>
        %dma_start3A_154 = arith.constant 0 : i32
        %dma_start3A_155 = arith.constant 0 : i32
        %dma_start3A_156 = tpu.memref_slice %arg2[%arg0, %dma_start3A_154, %dma_start3A_155] : memref<2x10000x64xf32, #tpu.memory_space<hbm>> -> memref<1x10000x64xf32, #tpu.memory_space<hbm>>
        %dma_start3A_157 = tpu.memref_squeeze %dma_start3A_156 : memref<1x10000x64xf32, #tpu.memory_space<hbm>> -> memref<10000x64xf32, #tpu.memory_space<hbm>>
        %dma_start3A_158 = arith.constant 0 : i32
        %dma_start3A_159 = arith.constant 0 : i32
        %dma_start3A_160 = tpu.memref_slice %dma_start3A_157[%dma_start3A_158, %dma_start3A_159] : memref<10000x64xf32, #tpu.memory_space<hbm>> -> memref<10000x64xf32, #tpu.memory_space<hbm>>
        tpu.enqueue_indirect_dma source(%dma_start3A_160 : memref<10000x64xf32, #tpu.memory_space<hbm>>) target(%arg11 : memref<128x64xf32, #tpu.memory_space<vmem>>) offsets(%dma_start3A_153 : memref<128xi32, #tpu.memory_space<vmem>>) semaphore(%arg18 : memref<!tpu.dma_semaphore, #tpu.memory_space<semaphore_mem>>)
        %mul3A_161 = arith.constant 128 : i32
        %mul3A_162 = arith.muli %add3A_150, %mul3A_161 : i32
        %add3A_163 = arith.addi %mul3A_2, %mul3A_162 : i32
        %dma_start3A_164 = arith.constant 0 : i32
        %dma_start3A_165 = tpu.memref_slice %arg3[%arg0, %add3A_163, %dma_start3A_164] : memref<2x327680x64xf32, #tpu.memory_space<hbm>> -> memref<1x128x64xf32, #tpu.memory_space<hbm>>
        %dma_start3A_166 = tpu.memref_squeeze %dma_start3A_165 : memref<1x128x64xf32, #tpu.memory_space<hbm>> -> memref<128x64xf32, #tpu.memory_space<hbm>>
        %dma_start3A_167 = arith.constant 0 : i32
        %dma_start3A_168 = tpu.memref_slice %arg3[%arg0, %add3A_163, %dma_start3A_167] : memref<2x327680x64xf32, #tpu.memory_space<hbm>> -> memref<1x128x64xf32, #tpu.memory_space<hbm>>
        %dma_start3A_169 = tpu.memref_squeeze %dma_start3A_168 : memref<1x128x64xf32, #tpu.memory_space<hbm>> -> memref<128x64xf32, #tpu.memory_space<hbm>>
        tpu.enqueue_dma source(%dma_start3A_169 : memref<128x64xf32, #tpu.memory_space<hbm>>) target(%arg13 : memref<128x64xf32, #tpu.memory_space<vmem>>) target_semaphore(%arg20 : memref<!tpu.dma_semaphore, #tpu.memory_space<semaphore_mem>>)
      } else {
      }
    }
    %scan3A_43 = arith.constant 80 : i32
    %dma_wait3A = arith.constant 158 : i32
    %dma_wait3A_44 = arith.constant 0 : i32
    %dma_wait3A_45 = tpu.memref_slice %arg9[%dma_wait3A, %dma_wait3A_44] : memref<160x128xi32, #tpu.memory_space<vmem>> -> memref<1x128xi32, #tpu.memory_space<vmem>>
    %dma_wait3A_46 = tpu.memref_squeeze %dma_wait3A_45 : memref<1x128xi32, #tpu.memory_space<vmem>> -> memref<128xi32, #tpu.memory_space<vmem>>
    %dma_wait3A_47 = arith.constant 0 : i32
    %dma_wait3A_48 = arith.constant 0 : i32
    %dma_wait3A_49 = tpu.memref_slice %arg16[%dma_wait3A_47, %dma_wait3A_48] : memref<10112x64xf32, #tpu.memory_space<vmem_shared>> -> memref<10112x64xf32, #tpu.memory_space<vmem_shared>>
    tpu.wait_indirect_dma semaphore(%arg21 : memref<!tpu.dma_semaphore, #tpu.memory_space<semaphore_mem>>) src(%arg14 : memref<128x64xf32, #tpu.memory_space<vmem>>) dst(%dma_wait3A_49 : memref<10112x64xf32, #tpu.memory_space<vmem_shared>>)
    %dma_wait3A_50 = arith.constant 159 : i32
    %dma_wait3A_51 = arith.constant 0 : i32
    %dma_wait3A_52 = tpu.memref_slice %arg9[%dma_wait3A_50, %dma_wait3A_51] : memref<160x128xi32, #tpu.memory_space<vmem>> -> memref<1x128xi32, #tpu.memory_space<vmem>>
    %dma_wait3A_53 = tpu.memref_squeeze %dma_wait3A_52 : memref<1x128xi32, #tpu.memory_space<vmem>> -> memref<128xi32, #tpu.memory_space<vmem>>
    %dma_wait3A_54 = arith.constant 0 : i32
    %dma_wait3A_55 = arith.constant 0 : i32
    %dma_wait3A_56 = tpu.memref_slice %arg16[%dma_wait3A_54, %dma_wait3A_55] : memref<10112x64xf32, #tpu.memory_space<vmem_shared>> -> memref<10112x64xf32, #tpu.memory_space<vmem_shared>>
    tpu.wait_indirect_dma semaphore(%arg22 : memref<!tpu.dma_semaphore, #tpu.memory_space<semaphore_mem>>) src(%arg15 : memref<128x64xf32, #tpu.memory_space<vmem>>) dst(%dma_wait3A_56 : memref<10112x64xf32, #tpu.memory_space<vmem_shared>>)
    %barrier3A_57 = arith.constant 0 : index
    tpu.barrier barrier_id(%barrier3A_57)
    %mul3A_58 = arith.constant 632 : i32
    %mul3A_59 = arith.muli %arg1, %mul3A_58 : i32
    %mul3A_60 = arith.constant 632 : i32
    %mul3A_61 = arith.muli %arg1, %mul3A_60 : i32
    "tpu.region"() ({
      %run_scoped3A = tpu.sem_alloc : memref<!tpu.dma_semaphore, #tpu.memory_space<semaphore_mem>>
      %dma_start3A_62 = arith.constant 0 : i32
      %dma_start3A_63 = tpu.memref_slice %arg7[%arg0, %mul3A_61, %dma_start3A_62] : memref<2x10112x64xf32, #tpu.memory_space<hbm>> -> memref<1x632x64xf32, #tpu.memory_space<hbm>>
      %dma_start3A_64 = tpu.memref_squeeze %dma_start3A_63 : memref<1x632x64xf32, #tpu.memory_space<hbm>> -> memref<632x64xf32, #tpu.memory_space<hbm>>
      %dma_start3A_65 = arith.constant 0 : i32
      %dma_start3A_66 = tpu.memref_slice %arg16[%mul3A_59, %dma_start3A_65] : memref<10112x64xf32, #tpu.memory_space<vmem_shared>> -> memref<632x64xf32, #tpu.memory_space<vmem_shared>>
      tpu.enqueue_dma source(%dma_start3A_66 : memref<632x64xf32, #tpu.memory_space<vmem_shared>>) target(%dma_start3A_64 : memref<632x64xf32, #tpu.memory_space<hbm>>) target_semaphore(%run_scoped3A : memref<!tpu.dma_semaphore, #tpu.memory_space<semaphore_mem>>)
      %dma_wait3A_67 = arith.constant 0 : i32
      %dma_wait3A_68 = tpu.memref_slice %arg7[%arg0, %mul3A_61, %dma_wait3A_67] : memref<2x10112x64xf32, #tpu.memory_space<hbm>> -> memref<1x632x64xf32, #tpu.memory_space<hbm>>
      %dma_wait3A_69 = tpu.memref_squeeze %dma_wait3A_68 : memref<1x632x64xf32, #tpu.memory_space<hbm>> -> memref<632x64xf32, #tpu.memory_space<hbm>>
      %dma_wait3A_70 = arith.constant 0 : i32
      %dma_wait3A_71 = tpu.memref_slice %arg16[%mul3A_59, %dma_wait3A_70] : memref<10112x64xf32, #tpu.memory_space<vmem_shared>> -> memref<632x64xf32, #tpu.memory_space<vmem_shared>>
      tpu.wait_dma2 semaphore(%run_scoped3A : memref<!tpu.dma_semaphore, #tpu.memory_space<semaphore_mem>>) src(%dma_wait3A_71 : memref<632x64xf32, #tpu.memory_space<vmem_shared>>) dst(%dma_wait3A_69 : memref<632x64xf32, #tpu.memory_space<hbm>>)
      tpu.yield
    }) : () -> ()
    return
  }
}

module attributes {stable_mosaic.version = 14 : i64} {
  func.func @_rea_body(%arg0: i32, %arg1: i32, %arg2: memref<2048x16xf32, #tpu.memory_space<vmem>>, %arg3: memref<1x16x64xf32, #tpu.memory_space<vmem>>, %arg4: memref<1x1x64xf32, #tpu.memory_space<vmem>>, %arg5: memref<1x2048x64xf32, #tpu.memory_space<vmem>>) attributes {dimension_semantics = [#tpu.dimension_semantics<arbitrary>, #tpu.dimension_semantics<arbitrary>], iteration_bounds = array<i64: 2, 160>, scalar_prefetch = 0 : i64, scratch_operands = 0 : i64, tpu.core_type = #tpu.core_type<tc>, window_params = [{transform_indices = @transform_0, window_bounds = array<i64: 2048, 16>}, {transform_indices = @transform_1, window_bounds = array<i64: 1, 16, 64>}, {transform_indices = @transform_2, window_bounds = array<i64: 1, 1, 64>}, {transform_indices = @transform_3, window_bounds = array<i64: 1, 2048, 64>}]} {
    %get3A = arith.constant 0 : index
    %get3A_0 = arith.constant 0 : index
    %get3A_1 = vector.load %arg2[%get3A, %get3A_0] : memref<2048x16xf32, #tpu.memory_space<vmem>>, vector<2048x16xf32>
    %get3A_2 = arith.constant 0 : index
    %get3A_3 = arith.constant 0 : index
    %get3A_4 = arith.constant 0 : index
    %get3A_5 = vector.load %arg3[%get3A_2, %get3A_3, %get3A_4] : memref<1x16x64xf32, #tpu.memory_space<vmem>>, vector<1x16x64xf32>
    %get3A_6 = vector.shape_cast %get3A_5 : vector<1x16x64xf32> to vector<16x64xf32>
    %dot_general3A = arith.constant dense<0.000000e+00> : vector<2048x64xf32>
    %dot_general3A_7 = tpu.matmul %get3A_1, %get3A_6, %dot_general3A {dimension_numbers = #tpu.dot_dimension_numbers<[1], [0], [0], [1], [0, 0, 1, 1], [], []>, transpose_lhs_hint = false} : vector<2048x16xf32>, vector<16x64xf32>, vector<2048x64xf32> -> vector<2048x64xf32>
    %get3A_8 = arith.constant 0 : index
    %get3A_9 = arith.constant 0 : index
    %get3A_10 = arith.constant 0 : index
    %get3A_11 = vector.load %arg4[%get3A_8, %get3A_9, %get3A_10] : memref<1x1x64xf32, #tpu.memory_space<vmem>>, vector<1x1x64xf32>
    %get3A_12 = vector.shape_cast %get3A_11 : vector<1x1x64xf32> to vector<1x64xf32>
    %add3A = vector.broadcast %get3A_12 : vector<1x64xf32> to vector<2048x64xf32>
    %add3A_13 = arith.addf %dot_general3A_7, %add3A : vector<2048x64xf32>
    %swap3A = arith.constant 0 : index
    %swap3A_14 = arith.constant 0 : index
    %swap3A_15 = arith.constant 0 : index
    %swap3A_16 = vector.load %arg5[%swap3A, %swap3A_14, %swap3A_15] : memref<1x2048x64xf32, #tpu.memory_space<vmem>>, vector<1x2048x64xf32>
    %swap3A_17 = vector.shape_cast %swap3A_16 : vector<1x2048x64xf32> to vector<2048x64xf32>
    %swap3A_18 = vector.shape_cast %add3A_13 : vector<2048x64xf32> to vector<1x2048x64xf32>
    tpu.vector_store %arg5[%swap3A, %swap3A_14, %swap3A_15], %swap3A_18 {strides = array<i32>} : memref<1x2048x64xf32, #tpu.memory_space<vmem>>, vector<1x2048x64xf32>,
    return
  }
  func.func @transform_0(%arg0: i32, %arg1: i32) -> (i32, i32) {
    %c0_i32 = arith.constant 0 : i32
    %c0_i32_0 = arith.constant 0 : i32
    return %arg1, %c0_i32 : i32, i32
  }
  func.func @transform_1(%arg0: i32, %arg1: i32) -> (i32, i32, i32) {
    %c0_i32 = arith.constant 0 : i32
    %c0_i32_0 = arith.constant 0 : i32
    %c0_i32_1 = arith.constant 0 : i32
    return %arg0, %c0_i32, %c0_i32_0 : i32, i32, i32
  }
  func.func @transform_2(%arg0: i32, %arg1: i32) -> (i32, i32, i32) {
    %c0_i32 = arith.constant 0 : i32
    %c0_i32_0 = arith.constant 0 : i32
    %c0_i32_1 = arith.constant 0 : i32
    return %arg0, %c0_i32, %c0_i32_0 : i32, i32, i32
  }
  func.func @transform_3(%arg0: i32, %arg1: i32) -> (i32, i32, i32) {
    %c0_i32 = arith.constant 0 : i32
    %c0_i32_0 = arith.constant 0 : i32
    return %arg0, %arg1, %c0_i32 : i32, i32, i32
  }
}

module attributes {stable_mosaic.version = 14 : i64} {
  func.func @_mlp_body(%arg0: i32, %arg1: memref<1xf32, #tpu.memory_space<smem>>, %arg2: memref<1000x128xf32, #tpu.memory_space<vmem>>, %arg3: memref<2x1000x64xf32, #tpu.memory_space<vmem>>, %arg4: memref<128x256xf32, #tpu.memory_space<vmem>>, %arg5: memref<1x256xf32, #tpu.memory_space<vmem>>, %arg6: memref<1x256xf32, #tpu.memory_space<vmem>>, %arg7: memref<1x256xf32, #tpu.memory_space<vmem>>, %arg8: memref<256x128xf32, #tpu.memory_space<vmem>>, %arg9: memref<1x128xf32, #tpu.memory_space<vmem>>, %arg10: memref<1000x128xf32, #tpu.memory_space<vmem>>) attributes {dimension_semantics = [#tpu.dimension_semantics<arbitrary>], iteration_bounds = array<i64: 10>, scalar_prefetch = 0 : i64, scratch_operands = 0 : i64, tpu.core_type = #tpu.core_type<tc>, window_params = [{transform_indices = @transform_0, window_bounds = array<i64: 1>}, {transform_indices = @transform_1, window_bounds = array<i64: 1000, 128>}, {transform_indices = @transform_2, window_bounds = array<i64: 2, 1000, 64>}, {pipeline_mode = #tpu.pipeline_mode<synchronous>, transform_indices = @transform_3, window_bounds = array<i64: 128, 256>}, {pipeline_mode = #tpu.pipeline_mode<synchronous>, transform_indices = @transform_4, window_bounds = array<i64: 1, 256>}, {pipeline_mode = #tpu.pipeline_mode<synchronous>, transform_indices = @transform_5, window_bounds = array<i64: 1, 256>}, {pipeline_mode = #tpu.pipeline_mode<synchronous>, transform_indices = @transform_6, window_bounds = array<i64: 1, 256>}, {pipeline_mode = #tpu.pipeline_mode<synchronous>, transform_indices = @transform_7, window_bounds = array<i64: 256, 128>}, {pipeline_mode = #tpu.pipeline_mode<synchronous>, transform_indices = @transform_8, window_bounds = array<i64: 1, 128>}, {transform_indices = @transform_9, window_bounds = array<i64: 1000, 128>}]} {
    %get3A = arith.constant 0 : index
    %get3A_0 = arith.constant 0 : index
    %get3A_1 = arith.constant 0 : index
    %get3A_2 = vector.load %arg3[%get3A, %get3A_0, %get3A_1] : memref<2x1000x64xf32, #tpu.memory_space<vmem>>, vector<1x1000x64xf32>
    %get3A_3 = vector.shape_cast %get3A_2 : vector<1x1000x64xf32> to vector<1000x64xf32>
    %get3A_4 = arith.constant 1 : index
    %get3A_5 = arith.constant 0 : index
    %get3A_6 = arith.constant 0 : index
    %get3A_7 = vector.load %arg3[%get3A_4, %get3A_5, %get3A_6] : memref<2x1000x64xf32, #tpu.memory_space<vmem>>, vector<1x1000x64xf32>
    %get3A_8 = vector.shape_cast %get3A_7 : vector<1x1000x64xf32> to vector<1000x64xf32>
    %concatenate3A = tpu.concatenate %get3A_3, %get3A_8 in 1 : vector<1000x64xf32>, vector<1000x64xf32> -> vector<1000x128xf32>
    %get3A_9 = arith.constant 0 : index
    %get3A_10 = arith.constant 0 : index
    %get3A_11 = vector.load %arg2[%get3A_9, %get3A_10] : memref<1000x128xf32, #tpu.memory_space<vmem>>, vector<1000x128xf32>
    %get3A_12 = arith.constant 0 : index
    %get3A_13 = memref.load %arg1[%get3A_12] : memref<1xf32, #tpu.memory_space<smem>>
    %mul3A = vector.broadcast %get3A_13 : f32 to vector<1000x128xf32>
    %mul3A_14 = arith.mulf %get3A_11, %mul3A : vector<1000x128xf32>
    %add3A = arith.addf %mul3A_14, %concatenate3A : vector<1000x128xf32>
    %get3A_15 = arith.constant 0 : index
    %get3A_16 = arith.constant 0 : index
    %get3A_17 = vector.load %arg4[%get3A_15, %get3A_16] : memref<128x256xf32, #tpu.memory_space<vmem>>, vector<128x256xf32>
    %dot_general3A = arith.constant dense<0.000000e+00> : vector<1000x256xf32>
    %dot_general3A_18 = tpu.matmul %add3A, %get3A_17, %dot_general3A {dimension_numbers = #tpu.dot_dimension_numbers<[1], [0], [0], [1], [0, 0, 1, 1], [], []>, transpose_lhs_hint = false} : vector<1000x128xf32>, vector<128x256xf32>, vector<1000x256xf32> -> vector<1000x256xf32>
    %get3A_19 = arith.constant 0 : index
    %get3A_20 = arith.constant 0 : index
    %get3A_21 = vector.load %arg5[%get3A_19, %get3A_20] : memref<1x256xf32, #tpu.memory_space<vmem>>, vector<1x256xf32>
    %add3A_22 = vector.broadcast %get3A_21 : vector<1x256xf32> to vector<1000x256xf32>
    %add3A_23 = arith.addf %dot_general3A_18, %add3A_22 : vector<1000x256xf32>
    %reduce_sum3A = arith.constant dense<0.000000e+00> : vector<1000xf32>
    %reduce_sum3A_24 = vector.multi_reduction <add>, %add3A_23, %reduce_sum3A [1] : vector<1000x256xf32> to vector<1000xf32>
    %broadcast_in_dim3A = vector.shape_cast %reduce_sum3A_24 : vector<1000xf32> to vector<1000x1xf32>
    %div3A = arith.constant 2.560000e+02 : f32
    %div3A_25 = vector.broadcast %div3A : f32 to vector<1000x1xf32>
    %div3A_26 = arith.divf %broadcast_in_dim3A, %div3A_25 : vector<1000x1xf32>
    %sub3A = vector.broadcast %div3A_26 : vector<1000x1xf32> to vector<1000x256xf32>
    %sub3A_27 = arith.subf %add3A_23, %sub3A : vector<1000x256xf32>
    %integer_pow3A = arith.mulf %sub3A_27, %sub3A_27 : vector<1000x256xf32>
    %reduce_sum3A_28 = arith.constant dense<0.000000e+00> : vector<1000xf32>
    %reduce_sum3A_29 = vector.multi_reduction <add>, %integer_pow3A, %reduce_sum3A_28 [1] : vector<1000x256xf32> to vector<1000xf32>
    %broadcast_in_dim3A_30 = vector.shape_cast %reduce_sum3A_29 : vector<1000xf32> to vector<1000x1xf32>
    %div3A_31 = arith.constant 2.560000e+02 : f32
    %div3A_32 = vector.broadcast %div3A_31 : f32 to vector<1000x1xf32>
    %div3A_33 = arith.divf %broadcast_in_dim3A_30, %div3A_32 : vector<1000x1xf32>
    %sub3A_34 = vector.broadcast %div3A_26 : vector<1000x1xf32> to vector<1000x256xf32>
    %sub3A_35 = arith.subf %add3A_23, %sub3A_34 : vector<1000x256xf32>
    %add3A_36 = arith.constant 9.99999974E-6 : f32
    %add3A_37 = vector.broadcast %add3A_36 : f32 to vector<1000x1xf32>
    %add3A_38 = arith.addf %div3A_33, %add3A_37 : vector<1000x1xf32>
    %rsqrt3A = math.rsqrt %add3A_38 : vector<1000x1xf32>
    %mul3A_39 = vector.broadcast %rsqrt3A : vector<1000x1xf32> to vector<1000x256xf32>
    %mul3A_40 = arith.mulf %sub3A_35, %mul3A_39 : vector<1000x256xf32>
    %get3A_41 = arith.constant 0 : index
    %get3A_42 = arith.constant 0 : index
    %get3A_43 = vector.load %arg6[%get3A_41, %get3A_42] : memref<1x256xf32, #tpu.memory_space<vmem>>, vector<1x256xf32>
    %mul3A_44 = vector.broadcast %get3A_43 : vector<1x256xf32> to vector<1000x256xf32>
    %mul3A_45 = arith.mulf %mul3A_40, %mul3A_44 : vector<1000x256xf32>
    %get3A_46 = arith.constant 0 : index
    %get3A_47 = arith.constant 0 : index
    %get3A_48 = vector.load %arg7[%get3A_46, %get3A_47] : memref<1x256xf32, #tpu.memory_space<vmem>>, vector<1x256xf32>
    %add3A_49 = vector.broadcast %get3A_48 : vector<1x256xf32> to vector<1000x256xf32>
    %add3A_50 = arith.addf %mul3A_45, %add3A_49 : vector<1000x256xf32>
    %max3A = arith.constant 0.000000e+00 : f32
    %max3A_51 = vector.broadcast %max3A : f32 to vector<1000x256xf32>
    %max3A_52 = arith.maximumf %add3A_50, %max3A_51 : vector<1000x256xf32>
    %get3A_53 = arith.constant 0 : index
    %get3A_54 = arith.constant 0 : index
    %get3A_55 = vector.load %arg8[%get3A_53, %get3A_54] : memref<256x128xf32, #tpu.memory_space<vmem>>, vector<256x128xf32>
    %dot_general3A_56 = arith.constant dense<0.000000e+00> : vector<1000x128xf32>
    %dot_general3A_57 = tpu.matmul %max3A_52, %get3A_55, %dot_general3A_56 {dimension_numbers = #tpu.dot_dimension_numbers<[1], [0], [0], [1], [0, 0, 1, 1], [], []>, transpose_lhs_hint = false} : vector<1000x256xf32>, vector<256x128xf32>, vector<1000x128xf32> -> vector<1000x128xf32>
    %get3A_58 = arith.constant 0 : index
    %get3A_59 = arith.constant 0 : index
    %get3A_60 = vector.load %arg9[%get3A_58, %get3A_59] : memref<1x128xf32, #tpu.memory_space<vmem>>, vector<1x128xf32>
    %add3A_61 = vector.broadcast %get3A_60 : vector<1x128xf32> to vector<1000x128xf32>
    %add3A_62 = arith.addf %dot_general3A_57, %add3A_61 : vector<1000x128xf32>
    %swap3A = arith.constant 0 : index
    %swap3A_63 = arith.constant 0 : index
    %swap3A_64 = vector.load %arg10[%swap3A, %swap3A_63] : memref<1000x128xf32, #tpu.memory_space<vmem>>, vector<1000x128xf32>
    tpu.vector_store %arg10[%swap3A, %swap3A_63], %add3A_62 {strides = array<i32>} : memref<1000x128xf32, #tpu.memory_space<vmem>>, vector<1000x128xf32>,
    return
  }
  func.func @transform_0(%arg0: i32) -> i32 {
    %c0_i32 = arith.constant 0 : i32
    %c0_i32_0 = arith.constant 0 : i32
    return %c0_i32 : i32
  }
  func.func @transform_1(%arg0: i32) -> (i32, i32) {
    %c0_i32 = arith.constant 0 : i32
    %c0_i32_0 = arith.constant 0 : i32
    return %arg0, %c0_i32 : i32, i32
  }
  func.func @transform_2(%arg0: i32) -> (i32, i32, i32) {
    %c0_i32 = arith.constant 0 : i32
    %c0_i32_0 = arith.constant 0 : i32
    %c0_i32_1 = arith.constant 0 : i32
    return %c0_i32, %arg0, %c0_i32_0 : i32, i32, i32
  }
  func.func @transform_3(%arg0: i32) -> (i32, i32) {
    %c0_i32 = arith.constant 0 : i32
    %c0_i32_0 = arith.constant 0 : i32
    %c0_i32_1 = arith.constant 0 : i32
    return %c0_i32, %c0_i32_0 : i32, i32
  }
  func.func @transform_4(%arg0: i32) -> (i32, i32) {
    %c0_i32 = arith.constant 0 : i32
    %c0_i32_0 = arith.constant 0 : i32
    %c0_i32_1 = arith.constant 0 : i32
    return %c0_i32, %c0_i32_0 : i32, i32
  }
  func.func @transform_5(%arg0: i32) -> (i32, i32) {
    %c0_i32 = arith.constant 0 : i32
    %c0_i32_0 = arith.constant 0 : i32
    %c0_i32_1 = arith.constant 0 : i32
    return %c0_i32, %c0_i32_0 : i32, i32
  }
  func.func @transform_6(%arg0: i32) -> (i32, i32) {
    %c0_i32 = arith.constant 0 : i32
    %c0_i32_0 = arith.constant 0 : i32
    %c0_i32_1 = arith.constant 0 : i32
    return %c0_i32, %c0_i32_0 : i32, i32
  }
  func.func @transform_7(%arg0: i32) -> (i32, i32) {
    %c0_i32 = arith.constant 0 : i32
    %c0_i32_0 = arith.constant 0 : i32
    %c0_i32_1 = arith.constant 0 : i32
    return %c0_i32, %c0_i32_0 : i32, i32
  }
  func.func @transform_8(%arg0: i32) -> (i32, i32) {
    %c0_i32 = arith.constant 0 : i32
    %c0_i32_0 = arith.constant 0 : i32
    %c0_i32_1 = arith.constant 0 : i32
    return %c0_i32, %c0_i32_0 : i32, i32
  }
  func.func @transform_9(%arg0: i32) -> (i32, i32) {
    %c0_i32 = arith.constant 0 : i32
    %c0_i32_0 = arith.constant 0 : i32
    return %arg0, %c0_i32 : i32, i32
  }
}

</mosaic_0001>

<sc_bundles>
// kernel: kernel.5.cloned.1.call-start
scs
__scs_entry_jumppad:
0x0: {  	(pc) =	sbr.rel $0x88, $3  }
0x1: {  	(tag) =	ssettag $0x0;
	lr =	simm.s32 $0x1  }
0x2: {  	[smem:$0x3F95] =	sst lr;
	_ =	strace $0xD0000000  }
0x3: {  	_ = 	snop  }
0x4: {  	_ = 	snop  }
0x5: {  	_ = 	snop  }
0x6: {  	_ = 	snop  }
0x7: {  	_ = 	snop  }
__scs_overlays_trampoline_lowered:
0x8: {  	[smem:$0x3FA4] =	sst s0  }
0x9: {  	[smem:$0x3FA5] =	sst s1  }
0xa: {  	[smem:$0x3FA6] =	sst s2  }
0xb: {  	[smem:$0x3FA7] =	sst s3  }
0xc: {  	[smem:$0x3FA8] =	sst s4  }
0xd: {  	[smem:$0x3FA9] =	sst s5  }
0xe: {  	[smem:$0x3FAA] =	sst s6  }
0xf: {  	[smem:$0x3FAB] =	sst s7  }
0x10: {  	[smem:$0x3FAC] =	sst s8  }
0x11: {  	[smem:$0x3FAD] =	sst s9;
	s0 =	simm.s32 @!p0 $0x0  }
0x12: {  	s1 =	sld [smem:$0x3F93];
	s0 =	simm.s32 @p0 $0x1  }
0x13: {  	[smem:$0x3FAE] =	sst s0;
	s0 =	simm.s32 @!p1 $0x0  }
0x14: {  	s2 =	sld [smem:$0x3F92];
	s0 =	simm.s32 @p1 $0x1  }
0x15: {  	[smem:$0x3FAF] =	sst s0;
	s0 =	simm.s32 @!p2 $0x0  }
0x16: {  	s3 =	sld [smem:$0x3FDB];
	s0 =	simm.s32 @p2 $0x1  }
0x17: {  	s4 =	simm.s32 $0x1BF5;
	[smem:$0x3FB1] =	sst s0  }
0x18: {  	s0 =	sld [smem:$0x3F94];
	_ =	swait.ge [sflag:s4], $0x0  }
0x19: {  	s7 =	sld [smem:$0x3F95]  }
0x1a: {  	s8 =	sadd.s32 $0xFFFFE003, lr  }
0x1b: {  	s9 =	sadd.s32 $0xFFFFFEF7, lr;
	s5 =	simm.s32 $0xFFFFFFFF;
	p2 =	slt.u32 s8, $0xFFFFF086  }
0x1c: {  	p1 =	slt.u32 s9, $0xF7A;
	s5 =	simm.s32 @!p2 $0x0  }
0x1d: {  	s5 =	simm.s32 @p1 $0x1;
	p0 =	seq.s32 s7, s2  }
0x1e: {  	s7 =	smul.u32 @!p0 $0xF7A, s2;
	p2 =	seq.s32 @!p0 s5, $0x0  }
0x1f: {  	s9 =	smul.u32 $0xF7A, s1;
	s8 =	simm.s32 @!p0 $0x1BF5;
	p2 =	por !p2, p0  }
0x20: {  	[sflag:s8] =	ssyncset.s32 @!p0 $0xFFFFF086;
	s6 =	sadd.s32 @!p0 s3, s7;
	s7 =	simm.s32 @!p0 $0x108  }
0x21: {  	s3 =	sadd.s32 s3, s9;
	s6 =	sadd.s32 @!p0 $0x88, s6;
	s7 =	simm.s32 @p2 $0x1082  }
0x22: {  	[simem:s7], [sflag:s8] =	dma.local @!p0 [hbm:s6], $0xF7A  }
0x23: {  	s9 =	sor.u32 $0xD0000000, s2;
	s6 =	simm.s32 $0x108;
	_ =	swait.ge @!p0 [sflag:s8], $0x0  }
0x24: {  	s3 =	sadd.s32 $0x88, s3;
	s6 =	simm.s32 @!p1 $0x1082;
	[sflag:s4] =	ssyncset.s32 $0xFFFFF086  }
0x25: {  	[simem:s6], [sflag:s4] =	dma.local [hbm:s3], $0xF7A  }
0x26: {  	[smem:$0x3F95] =	sst s1;
	(tag) =	ssettag s2;
	_ =	strace s9  }
0x27: {  	s1 =	sld [smem:$0x3FA5]  }
0x28: {  	s2 =	sld [smem:$0x3FA6]  }
0x29: {  	s4 =	sld [smem:$0x3FA8]  }
0x2a: {  	p0 =	seq.s32 s5, $0x0;
	s5 =	sld [smem:$0x3FA9]  }
0x2b: {  	s6 =	sld [smem:$0x3FAA]  }
0x2c: {  	s7 =	sld [smem:$0x3FAB]  }
0x2d: {  	s3 =	simm.s32 $0x108;
	s8 =	sld [smem:$0x3FAC]  }
0x2e: {  	s3 =	simm.s32 @!p0 $0x1082;
	s9 =	sld [smem:$0x3FAD]  }
0x2f: {  	lr =	sadd.s32 s0, s3;
	s0 =	sld [smem:$0x3FA4]  }
0x30: {  	s3 =	sld [smem:$0x3FA7]  }
0x31: {  	[smem:$0x3FB0] =	sst s10  }
0x32: {  	s10 =	sld [smem:$0x3FAE];
	_ =	sdelay $0x3  }
0x33: {  	p0 =	seq.s32 s10, $0x1;
	s10 =	sld [smem:$0x3FB0];
	_ =	sdelay $0x3  }
0x34: {  	[smem:$0x3FB0] =	sst s10  }
0x35: {  	s10 =	sld [smem:$0x3FAF];
	_ =	sdelay $0x3  }
0x36: {  	p1 =	seq.s32 s10, $0x1;
	s10 =	sld [smem:$0x3FB0];
	_ =	sdelay $0x3  }
0x37: {  	[smem:$0x3FB0] =	sst s10  }
0x38: {  	s10 =	sld [smem:$0x3FB1]  }
0x39: {  	_ = 	snop;
	(pc) =	sbr.ind lr, $3  }
0x3a: {  	_ = 	snop  }
0x3b: {  	_ = 	snop  }
0x3c: {  	p2 =	seq.s32 s10, $0x1;
	s10 =	sld [smem:$0x3FB0]  }
0x3d: {  	_ =	shalt  }
0x3e: {  	_ =	shalt  }
0x3f: {  	_ =	shalt  }
0x40: {  	_ =	shalt  }
0x41: {  	_ =	shalt  }
0x42: {  	_ =	shalt  }
0x43: {  	_ =	shalt  }
0x44: {  	_ =	shalt  }
0x45: {  	_ =	shalt  }
0x46: {  	_ =	shalt  }
0x47: {  	_ =	shalt  }
0x48: {  	_ =	shalt  }
0x49: {  	_ =	shalt  }
0x4a: {  	_ =	shalt  }
0x4b: {  	_ =	shalt  }
0x4c: {  	_ =	shalt  }
0x4d: {  	_ =	shalt  }
0x4e: {  	_ =	shalt  }
0x4f: {  	_ =	shalt  }
0x50: {  	_ =	shalt  }
0x51: {  	_ =	shalt  }
0x52: {  	_ =	shalt  }
0x53: {  	_ =	shalt  }
0x54: {  	_ =	shalt  }
0x55: {  	_ =	shalt  }
0x56: {  	_ =	shalt  }
0x57: {  	_ =	shalt  }
0x58: {  	_ =	shalt  }
0x59: {  	_ =	shalt  }
0x5a: {  	_ =	shalt  }
0x5b: {  	_ =	shalt  }
0x5c: {  	_ =	shalt  }
0x5d: {  	_ =	shalt  }
0x5e: {  	_ =	shalt  }
0x5f: {  	_ =	shalt  }
0x60: {  	_ =	shalt  }
0x61: {  	_ =	shalt  }
0x62: {  	_ =	shalt  }
0x63: {  	_ =	shalt  }
0x64: {  	_ =	shalt  }
0x65: {  	_ =	shalt  }
0x66: {  	_ =	shalt  }
0x67: {  	_ =	shalt  }
0x68: {  	_ =	shalt  }
0x69: {  	_ =	shalt  }
0x6a: {  	_ =	shalt  }
0x6b: {  	_ =	shalt  }
0x6c: {  	_ =	shalt  }
0x6d: {  	_ =	shalt  }
0x6e: {  	_ =	shalt  }
0x6f: {  	_ =	shalt  }
0x70: {  	_ =	shalt  }
0x71: {  	_ =	shalt  }
0x72: {  	_ =	shalt  }
0x73: {  	_ =	shalt  }
0x74: {  	_ =	shalt  }
0x75: {  	_ =	shalt  }
0x76: {  	_ =	shalt  }
0x77: {  	_ =	shalt  }
0x78: {  	_ =	shalt  }
0x79: {  	_ =	shalt  }
0x7a: {  	_ =	shalt  }
0x7b: {  	_ =	shalt  }
0x7c: {  	_ =	shalt  }
0x7d: {  	_ =	shalt  }
0x7e: {  	_ =	shalt  }
0x7f: {  	_ =	shalt  }
0x80: {  	_ =	shalt  }
0x81: {  	_ =	shalt  }
0x82: {  	_ =	shalt  }
0x83: {  	_ =	shalt  }
0x84: {  	_ =	shalt  }
0x85: {  	_ =	shalt  }
0x86: {  	_ =	shalt  }
0x87: {  	_ =	shalt  }
.Lfunc_end0:
.L_simem_size_0:
called_computation_lowered:
.L_overlay_start_0:
0x88: {  	s2 =	sld [smem:$0x3FD9]  }
0x89: {  	s3 =	sld [smem:$0x3FFE];
	_ =	sdelay $0x1  }
0x8a: {  	s1 =	srdreg.scid  }
0x8b: {  	s0 =	sand.u32 $0x1, s1  }
0x8c: {  	s17 =	sshll.u32 s0, $0xA;
	s2 =	sadd.s32 s3, s2  }
0x8d: {  	s2 =	sadd.s32 s2, s17  }
0x8e: {  	[smem:$0x3FBC] =	sst s2  }
0x8f: {  	_ = 	snop  }
0x90: {  	s2 =	sld [smem:$0x3FD0];
	(tm) =	ssettm $0x1  }
0x91: {  	s18 =	sld [smem:$0x3FFB];
	_ =	sdelay $0x3  }
0x92: {  	_ =	strace s18  }
0x93: {  	s3 =	sld [smem:$0x3FFC];
	_ =	sdelay $0x3  }
0x94: {  	_ =	strace s3  }
0x95: {  	s3 =	sld [smem:$0x3FFD];
	_ =	sdelay $0x3  }
0x96: {  	_ =	strace s3  }
0x97: {  	_ =	strace $0x8FFFFFFF  }
0x98: {  	s19 =	sld [smem:$0x3FDB];
	_ =	sdelay $0x1  }
0x99: {  	s4 =	simm.s32 $_scs_section_size  }
0x9a: {  	s5 =	simm.s32 $_size__tile_overlayer_lowered;
	s6 =	simm.s32 $_tile_overlayer_lowered  }
0x9b: {  	s22 =	simm.s32 $0x1BFF;
	s21 =	sshll.u32 s6, $0x1;
	s3 =	sadd.s32 s4, s19  }
0x9c: {  	s7 =	simm.s32 $0x0;
	s20 =	sshll.u32 s5, $0x1;
	s5 =	sadd.s32 s21, s3  }
0x9d: {  	[timem:s7], [sflag:s22] =	dma.local [hbm:s5], s20  }
0x9e: {  	_ =	swait.ge [sflag:s22], s20  }
0x9f: {  	s4 =	ssub.s32 $0x0, s20;
	[sflag:s22] =	ssyncset.done $0x0  }
0xa0: {  	[sflag:s22] =	ssyncadd.s32 s4;
	_ =	sdelay $0x1  }
0xa1: {  	s23 =	simm.s32 $0x1B8B  }
0xa2: {  	_ =	swait.ge [sflag:s23], $0x1  }
0xa3: {  	[sflag:s23] =	ssyncset.done $0x0  }
0xa4: {  	s25 =	simm.s32 $0x1B8E;
	s24 =	sld [smem:$0x3FFE];
	[sflag:s23] =	ssyncadd.s32 $0xFFFFFFFF  }
0xa5: {  	s26 =	simm.s32 $execute0_lowered;
	[smem:$0x3FD2] =	sst s25  }
0xa6: {  	s5 =	sshll.u32 s26, $0x1;
	_ =	strace $0x80000046;
	[dreg:$0x1] =	wrdreg $0xFFFFFFFF  }
0xa7: {  	s28 =	simm.s32 $_size_execute0_lowered;
	s3 =	sadd.s32 s3, s5;
	[dreg:$0x0] =	wrdreg $0x0  }
0xa8: {  	s5 =	sshll.u32 s28, $0x1;
	[dreg:$0x2] =	wrdreg s3  }
0xa9: {  	[dreg:$0x3] =	wrdreg s5  }
0xaa: {  	[dreg:$0x4] =	wrdreg $0xC0  }
0xab: {  	_ =	task [dreg:s7], $0x5FFFF  }
0xac: {  	[dreg:$0x1] =	wrdreg $0xFFFFFFFF  }
0xad: {  	[dreg:$0x0] =	wrdreg $0x60  }
0xae: {  	[dreg:$0x2] =	wrdreg s2  }
0xaf: {  	[dreg:$0x3] =	wrdreg s24  }
0xb0: {  	[dreg:$0x4] =	wrdreg $0x160000  }
0xb1: {  	[dreg:$0x5] =	wrdreg $0x9  }
0xb2: {  	_ =	task.clear_ibuf [dreg:s7], $0x6FFFF;
	_ =	strace $0x90000046  }
0xb3: {  	s29 =	simm.s32 $0x9;
	_ =	strace $0x80000048  }
0xb4: {  	_ =	swait.ge [sflag:s29], $0x1  }
0xb5: {  	[sflag:s29] =	ssyncadd.s32 $0xFFFFFFFF  }
0xb6: {  	_ =	strace $0x90000048  }
0xb7: {  	_ =	sfence  }
0xb8: {  	s30 =	sld [smem:$0x0];
	_ =	sdelay $0x2  }
0xb9: {  	s31 =	sshll.u32 s1, $0xD;
	s1 =	sshrl.u32 s1, $0x2  }
0xba: {  	s3 =	sand.u32 $0x4000, s31;
	s1 =	sadd.s32 s1, s30  }
0xbb: {  	s0 =	sor.u32 s3, s0;
	s1 =	sshll.u32 s1, $0x11  }
0xbc: {  	s0 =	sor.u32 s1, s0  }
0xbd: {  	s0 =	sadd.s32 $0x8F2B, s0  }
0xbe: {  	[sflag:s0] =	ssyncadd.remote.s32 $0x1  }
0xbf: {  	_ =	sfence.sel $0xFFFF  }
0xc0: {  	[dreg:$0x0] =	wrdreg $0xFFFFFFFF;
	(pc) =	sbr.abs _section_cstart, $3  }
0xc1: {  	[dreg:$0x1] =	wrdreg $0xFFFFFFFF  }
0xc2: {  	_ =	task.clear_ibuf [dreg:s7], $0x2FFFF;
	_ =	strace $0x9FFFFFFF  }
0xc3: {  	(tm) =	ssettm $0x7FFFFFFF  }
tec
execute0_lowered:
.L_overlay_start_1:
0x0: {  	(tag) =	ssettag $0x1  }
0x1: {  	s0 =	rddreg [dreg:$0x0]  }
0x2: {  	s1 =	rddreg [dreg:$0x1]  }
0x3: {  	s2 =	rddreg [dreg:$0x2]  }
0x4: {  	s15 =	stileid.u32;
	s5 =	srdreg.scid;
	s4 =	simm.s32 $0x0  }
0x5: {  	s19 =	simm.s32 $0x80;
	s28 =	simm.s32 $0x2;
	s29 =	simm.s32 $0x4  }
0x6: {  	s30 =	simm.s32 $0x14000;
	s31 =	simm.s32 $0x5;
	s3 =	smul.u32 $0x5000, s15  }
0x7: {  	s7 =	sand.u32 $0x1, s5;
	s8 =	smul.u32 $0x9E00, s15;
	[smem:$0x7FF] =	sst s4  }
0x8: {  	s5 =	sadd.s32 $0x15600, s1;
	s12 =	smul.u32 $0x140000, s15;
	s13 =	sadd.s32 $0xBA00, s1  }
0x9: {  	s26 =	sshll.u32 s15, $0x6;
	s15 =	simm.s32 $0x7;
	s6 =	smul.u32 $0x9E000, s7  }
0xa: {  	_ =	strace $0x80000047;
	s11 =	ssub.s32 $0x2, s7;
	[dreg:$0x4] =	wrdreg s13  }
0xb: {  	s17 =	sor.u32 $0x1C07, s26;
	s26 =	simm.s32 $0x12000;
	s9 =	sshrl.u32 s3, $0x3  }
0xc: {  	s21 =	sshrl.u32 s11, $0x1;
	s10 =	sadd.s32 s8, s6;
	s6 =	smul.u32 $0x1400000, s7  }
0xd: {  	s9 =	sadd.s32 s9, s1;
	s14 =	ssub.s32 s11, s21;
	s7 =	smul.u32 $0x13880, s7  }
0xe: {  	s8 =	sadd.s32 s8, s2;
	s10 =	sshrl.u32 s10, $0x3;
	s22 =	sadd.s32 $0x1A00, s9  }
0xf: {  	s9 =	sadd.s32 $0x515600, s9;
	s14 =	smax.u32 s14, $0x1;
	s18 =	sshrl.u32 s8, $0x3  }
0x10: {  	s1 =	sadd.s32 s10, s1;
	[dreg:$0x5] =	wrdreg s22;
	s23 =	sadd.s32 s12, s6  }
.Ltmp0:
0x11: {  	[dreg:$0x6] =	wrdreg s9;
	s10 =	sadd.s32 s0, s7;
	(pc) =	sbr.rel .LBB2_1-.Ltmp0, $4  }
0x12: {  	s22 =	simm.s32 $0xC000;
	s0 =	simm.s32 $0x6;
	s24 =	sor.u32 $0x2000, s23  }
0x13: {  	s25 =	sshrl.u32 s23, $0x3;
	s13 =	sadd.s32 $0x51F600, s1;
	s23 =	simm.s32 $0x10000  }
0x14: {  	s1 =	simm.s32 $0x0;
	s9 =	sshrl.u32 s24, $0x3;
	s11 =	sadd.s32 s5, s25  }
0x15: {  	s24 =	simm.s32 $0x1;
	s25 =	simm.s32 $0x3;
	s12 =	sadd.s32 s5, s9  }
.LBB2_8:
0x16: {  	_ =	swait.ge [sflag:s31], $0x2000  }
0x17: {  	[sflag:s31] =	ssyncset.done $0x0  }
0x18: {  	[sflag:s31] =	ssyncadd.s32 $0xFFFFE000  }
0x19: {  	_ =	swait.ge [sflag:s0], $0x2000  }
0x1a: {  	s1 =	sadd.s32 $0x1, s1;
	[sflag:s0] =	ssyncset.done $0x0  }
0x1b: {  	p0 =	sne.s32 s1, s14;
	[sflag:s0] =	ssyncadd.s32 $0xFFFFE000  }
.Ltmp1:
0x1c: {  	[bflag:$0x0] =	sbarrier.arrive $0xFFFF;
	(pc) =	sbr.rel @!p0 .LBB2_9-.Ltmp1, $4  }
0x1d: {  	[hbm:s13], [sflag:s17] =	dma.local [spmem:s18], $0x13C0  }
0x1e: {  	_ =	swait.ge [sflag:s15], $0x13C0  }
0x1f: {  	[sflag:s15] =	ssyncset.done $0x0  }
0x20: {  	[sflag:s15] =	ssyncadd.s32 $0xFFFFEC40  }
.LBB2_1:
0x21: {  	s7 =	rddreg [dreg:$0x5]  }
0x22: {  	[tilespmem:s4], [sflag:$0x7] =	stream.linear.gather [hbm4b:s7+s4], $0x5000, $0x38;
	[tilespmem:$0x1FE00] =	vst v63  }
0x23: {  	_ =	swait.ge [sflag:s15], $0x5000  }
0x24: {  	[sflag:s15] =	ssyncset.done $0x0  }
0x25: {  	s8 =	simm.s32 $0x5000;
	s9 =	rddreg [dreg:$0x6];
	[sflag:s15] =	ssyncadd.s32 $0xFFFFB000  }
0x26: {  	[tilespmem:s8], [sflag:$0x7] =	stream.linear.gather [hbm4b:s9+s4], $0x5000, $0x38;
	[tilespmem:$0x1FE00] =	vst v63  }
0x27: {  	_ =	swait.ge [sflag:s15], $0x5000  }
0x28: {  	[sflag:s15] =	ssyncset.done $0x0  }
0x29: {  	s16 =	rddreg [dreg:$0x4];
	[sflag:s15] =	ssyncadd.s32 $0xFFFFB000  }
0x2a: {  	[spmem:s18], [sflag:s17] =	dma.local [hbm:s16], $0x13C0  }
0x2b: {  	_ =	swait.ge [sflag:s15], $0x13C0  }
0x2c: {  	[sflag:s15] =	ssyncset.done $0x0  }
0x2d: {  	[sflag:s15] =	ssyncadd.s32 $0xFFFFEC40  }
0x2e: {  	s20 =	simm.s32 $0xA000;
	[bflag:$0x0] =	sbarrier.arrive $0xFFFF  }
0x2f: {  	[tilespmem:s20], [sflag:$0x1] =	stream.indirect.gather [hbm4b:s10+s19], $0x40, s4, s19, $0xb8;
	[tilespmem:$0x1FE00] =	vst v63  }
0x30: {  	s21 =	simm.s32 $0xE000  }
0x31: {  	[tilespmem:s21], [sflag:$0x3] =	stream.linear.gather [hbm4b:s11+s4], $0x2000, $0x38;
	[tilespmem:$0x1FE00] =	vst v63  }
0x32: {  	_ = 	snop  }
0x33: {  	[tilespmem:s22], [sflag:$0x2] =	stream.indirect.gather [hbm4b:s10+s19], $0x40, s19, s19, $0xb8;
	[tilespmem:$0x1FE00] =	vst v63  }
0x34: {  	s16 =	simm.s32 $0x0  }
0x35: {  	[tilespmem:s23], [sflag:$0x4] =	stream.linear.gather [hbm4b:s12+s4], $0x2000, $0x38;
	[tilespmem:$0x1FE00] =	vst v63  }
.LBB2_2:
0x36: {  	_ =	swait.ge [sflag:s24], $0x2000  }
0x37: {  	[sflag:s24] =	ssyncset.done $0x0  }
0x38: {  	[sflag:s24] =	ssyncadd.s32 $0xFFFFE000  }
0x39: {  	_ =	swait.ge [sflag:s25], $0x2000  }
0x3a: {  	p0 =	seq.s32 s16, $0x0;
	[sflag:s25] =	ssyncset.done $0x0  }
0x3b: {  	s7 =	simm.s32 @!p0 $0x5;
	[sflag:s25] =	ssyncadd.s32 $0xFFFFE000  }
0x3c: {  	_ =	swait.ge @!p0 [sflag:s7], $0x2000  }
0x3d: {  	[sflag:s7] =	ssyncset.done @!p0 $0x0  }
0x3e: {  	s21 =	simm.s32 $0x0;
	[sflag:s7] =	ssyncadd.s32 @!p0 $0xFFFFE000  }
0x3f: {  	v2 =	vld [tilespmem:s21+$0xA030]  }
0x40: {  	v3 =	vld [tilespmem:s21+$0xE030]  }
0x41: {  	v5 =	vld [tilespmem:s21+$0xA000]  }
0x42: {  	v6 =	vld [tilespmem:s21+$0xE000]  }
0x43: {  	v1 =	vld [tilespmem:s21+$0xA010]  }
0x44: {  	v4 =	vld [tilespmem:s21+$0xE010]  }
0x45: {  	v0 =	vld [tilespmem:s21+$0xA020];
	v7 =	vadd.f32 v3, v2  }
0x46: {  	s7 =	simm.s32 $0x40;
	v2 =	vld [tilespmem:s21+$0xE020]  }
0x47: {  	s20 =	sshll.u32 s16, $0x8;
	s8 =	simm.s32 $0x200;
	v3 =	vld [tilespmem:s7+$0xA030];
	v5 =	vadd.f32 v6, v5;
	v6 =	vmax.f32 v7, $0.0e+00  }
.LBB2_3:
0x48: {  	p1 =	sne.s32 s8, $0x7F00;
	v7 =	vld [tilespmem:s7+$0xE030];
	[tilespmem:s21+$0x12030] =	vst v6  }
0x49: {  	v6 =	vld [tilespmem:s7+$0xA000];
	v5 =	vmax.f32 v5, $0.0e+00;
	v4 =	vadd.f32 v4, v1  }
0x4a: {  	v8 =	vld [tilespmem:s7+$0xE000];
	[tilespmem:s21+$0x12000] =	vst v5  }
.Ltmp2:
0x4b: {  	v1 =	vld [tilespmem:s7+$0xA010];
	v5 =	vmax.f32 v4, $0.0e+00;
	v2 =	vadd.f32 v2, v0;
	(pc) =	sbr.rel @p1 .LBB2_3-.Ltmp2, $4  }
0x4c: {  	v4 =	vld [tilespmem:s7+$0xE010];
	[tilespmem:s21+$0x12010] =	vst v5  }
0x4d: {  	v0 =	vld [tilespmem:s7+$0xA020];
	v7 =	vadd.f32 v7, v3;
	v3 =	vmax.f32 v2, $0.0e+00  }
0x4e: {  	v2 =	vld [tilespmem:s7+$0xE020];
	[tilespmem:s21+$0x12020] =	vst v3;
	s21 =	smov.u32 s7;
	s7 =	sshra.s32 s8, $0x2  }
0x4f: {  	s8 =	sadd.s32 $0x100, s8;
	v3 =	vld [tilespmem:s7+$0xA030];
	v5 =	vadd.f32 v8, v6;
	v6 =	vmax.f32 v7, $0.0e+00  }
0x50: {  	v7 =	vld [tilespmem:s7+$0xE030];
	[tilespmem:s21+$0x12030] =	vst v6  }
0x51: {  	v6 =	vld [tilespmem:s7+$0xA000];
	v5 =	vmax.f32 v5, $0.0e+00;
	v1 =	vadd.f32 v4, v1  }
0x52: {  	v8 =	vld [tilespmem:s7+$0xE000];
	[tilespmem:s21+$0x12000] =	vst v5  }
0x53: {  	v4 =	vld [tilespmem:s7+$0xA010];
	v1 =	vmax.f32 v1, $0.0e+00  }
0x54: {  	v5 =	vld [tilespmem:s7+$0xE010];
	[tilespmem:s21+$0x12010] =	vst v1  }
0x55: {  	v1 =	vld [tilespmem:s7+$0xA020]  }
0x56: {  	v9 =	vld [tilespmem:s7+$0xE020]  }
0x57: {  	v0 =	vadd.f32 v2, v0  }
0x58: {  	v2 =	vadd.f32 v7, v3  }
0x59: {  	v0 =	vmax.f32 v0, $0.0e+00;
	v3 =	vadd.f32 v8, v6  }
0x5a: {  	[tilespmem:s21+$0x12020] =	vst v0;
	v0 =	vmax.f32 v2, $0.0e+00;
	v2 =	vadd.f32 v5, v4  }
0x5b: {  	[tilespmem:s7+$0x12030] =	vst v0;
	v0 =	vmax.f32 v3, $0.0e+00;
	v1 =	vadd.f32 v9, v1  }
0x5c: {  	[tilespmem:s7+$0x12000] =	vst v0;
	v0 =	vmax.f32 v2, $0.0e+00  }
0x5d: {  	s21 =	sand.u32 $0x3FFFFF00, s20;
	[tilespmem:s7+$0x12010] =	vst v0;
	v0 =	vmax.f32 v1, $0.0e+00  }
0x5e: {  	p1 =	seq.s32 s16, $0x4F;
	s9 =	sadd.s32 $0x5000, s21;
	[tilespmem:s7+$0x12020] =	vst v0  }
0x5f: {  	[spmem:s2] =	stream.indirect.scatter.add.f32 [tilespmem:s26], [sflag:$0x5], $0x40, s9, s19, $0xb8;
	[tilespmem:$0x1FE00] =	vst v63  }
0x60: {  	s8 =	simm.s32 @!p1 $0x80;
	s7 =	sadd.s32 @!p1 $0x100, s20;
	s9 =	simm.s32 @!p1 $0xA000  }
0x61: {  	[tilespmem:s9], [sflag:$0x1] =	stream.indirect.gather @!p1 [hbm4b:s10+s8], $0x40, s7, s8, $0xb8;
	[tilespmem:$0x1FE00] =	vst v63  }
0x62: {  	s7 =	sadd.s32 @!p1 s3, s7  }
0x63: {  	s7 =	sshll.u32 @!p1 s7, $0x6  }
0x64: {  	s7 =	sadd.s32 @!p1 s6, s7  }
0x65: {  	s7 =	sshrl.u32 @!p1 s7, $0x3  }
0x66: {  	s8 =	simm.s32 @!p1 $0x0;
	s9 =	simm.s32 @!p1 $0xE000;
	s7 =	sadd.s32 @!p1 s5, s7  }
0x67: {  	[tilespmem:s9], [sflag:$0x3] =	stream.linear.gather @!p1 [hbm4b:s7+s8], $0x2000, $0x38;
	[tilespmem:$0x1FE00] =	vst v63  }
0x68: {  	_ =	swait.ge [sflag:s28], $0x2000  }
0x69: {  	[sflag:s28] =	ssyncset.done $0x0  }
0x6a: {  	[sflag:s28] =	ssyncadd.s32 $0xFFFFE000  }
0x6b: {  	_ =	swait.ge [sflag:s29], $0x2000  }
0x6c: {  	[sflag:s29] =	ssyncset.done $0x0  }
0x6d: {  	s7 =	simm.s32 @!p0 $0x6;
	[sflag:s29] =	ssyncadd.s32 $0xFFFFE000  }
0x6e: {  	_ =	swait.ge @!p0 [sflag:s7], $0x2000  }
0x6f: {  	[sflag:s7] =	ssyncset.done @!p0 $0x0  }
0x70: {  	s8 =	simm.s32 $0x0;
	[sflag:s7] =	ssyncadd.s32 @!p0 $0xFFFFE000  }
0x71: {  	v2 =	vld [tilespmem:s8+$0xC030]  }
0x72: {  	v3 =	vld [tilespmem:s8+$0x10030]  }
0x73: {  	v5 =	vld [tilespmem:s8+$0xC000]  }
0x74: {  	v6 =	vld [tilespmem:s8+$0x10000]  }
0x75: {  	v1 =	vld [tilespmem:s8+$0xC010]  }
0x76: {  	v4 =	vld [tilespmem:s8+$0x10010]  }
0x77: {  	v0 =	vld [tilespmem:s8+$0xC020];
	v7 =	vadd.f32 v3, v2  }
0x78: {  	s7 =	simm.s32 $0x40;
	v3 =	vld [tilespmem:s8+$0x10020]  }
0x79: {  	s9 =	simm.s32 $0x200;
	v2 =	vld [tilespmem:s7+$0xC030];
	v5 =	vadd.f32 v6, v5;
	v6 =	vmax.f32 v7, $0.0e+00  }
.LBB2_5:
0x7a: {  	p0 =	sne.s32 s9, $0x7F00;
	v7 =	vld [tilespmem:s7+$0x10030];
	[tilespmem:s8+$0x14030] =	vst v6  }
0x7b: {  	v6 =	vld [tilespmem:s7+$0xC000];
	v5 =	vmax.f32 v5, $0.0e+00;
	v4 =	vadd.f32 v4, v1  }
0x7c: {  	v8 =	vld [tilespmem:s7+$0x10000];
	[tilespmem:s8+$0x14000] =	vst v5  }
.Ltmp3:
0x7d: {  	v1 =	vld [tilespmem:s7+$0xC010];
	v5 =	vmax.f32 v4, $0.0e+00;
	v3 =	vadd.f32 v3, v0;
	(pc) =	sbr.rel @p0 .LBB2_5-.Ltmp3, $4  }
0x7e: {  	v4 =	vld [tilespmem:s7+$0x10010];
	[tilespmem:s8+$0x14010] =	vst v5  }
0x7f: {  	v0 =	vld [tilespmem:s7+$0xC020];
	v7 =	vadd.f32 v7, v2;
	v2 =	vmax.f32 v3, $0.0e+00  }
0x80: {  	v3 =	vld [tilespmem:s7+$0x10020];
	[tilespmem:s8+$0x14020] =	vst v2;
	s8 =	smov.u32 s7;
	s7 =	sshra.s32 s9, $0x2  }
0x81: {  	s9 =	sadd.s32 $0x100, s9;
	v2 =	vld [tilespmem:s7+$0xC030];
	v5 =	vadd.f32 v8, v6;
	v6 =	vmax.f32 v7, $0.0e+00  }
0x82: {  	v7 =	vld [tilespmem:s7+$0x10030];
	[tilespmem:s8+$0x14030] =	vst v6  }
0x83: {  	v6 =	vld [tilespmem:s7+$0xC000];
	v5 =	vmax.f32 v5, $0.0e+00;
	v1 =	vadd.f32 v4, v1  }
0x84: {  	v8 =	vld [tilespmem:s7+$0x10000];
	[tilespmem:s8+$0x14000] =	vst v5  }
0x85: {  	v57 =	vld [tilespmem:s7+$0xC010];
	v1 =	vmax.f32 v1, $0.0e+00  }
0x86: {  	v5 =	vld [tilespmem:s7+$0x10010];
	[tilespmem:s8+$0x14010] =	vst v1  }
0x87: {  	v1 =	vld [tilespmem:s7+$0xC020]  }
0x88: {  	v9 =	vld [tilespmem:s7+$0x10020]  }
0x89: {  	v0 =	vadd.f32 v3, v0  }
0x8a: {  	v2 =	vadd.f32 v7, v2  }
0x8b: {  	v0 =	vmax.f32 v0, $0.0e+00;
	v58 =	vadd.f32 v8, v6  }
0x8c: {  	[tilespmem:s8+$0x14020] =	vst v0;
	v59 =	vmax.f32 v2, $0.0e+00;
	v60 =	vadd.f32 v5, v57  }
.Ltmp4:
0x8d: {  	[tilespmem:s7+$0x14030] =	vst v59;
	v61 =	vmax.f32 v58, $0.0e+00;
	v1 =	vadd.f32 v9, v1;
	(pc) =	sbr.rel @p1 .LBB2_8-.Ltmp4, $4  }
0x8e: {  	[tilespmem:s7+$0x14000] =	vst v61;
	v62 =	vmax.f32 v60, $0.0e+00  }
0x8f: {  	[tilespmem:s7+$0x14010] =	vst v62;
	v63 =	vmax.f32 v1, $0.0e+00  }
0x90: {  	s21 =	sadd.s32 $0x5080, s21;
	[tilespmem:s7+$0x14020] =	vst v63  }
0x91: {  	[spmem:s2] =	stream.indirect.scatter.add.f32 [tilespmem:s30], [sflag:$0x6], $0x40, s21, s19, $0xb8;
	[tilespmem:$0x1FE00] =	vst v63  }
0x92: {  	s7 =	sadd.s32 $0x180, s20  }
0x93: {  	[tilespmem:s22], [sflag:$0x2] =	stream.indirect.gather [hbm4b:s10+s19], $0x40, s7, s19, $0xb8;
	[tilespmem:$0x1FE00] =	vst v63  }
0x94: {  	s7 =	sadd.s32 s3, s7  }
.Ltmp5:
0x95: {  	s7 =	sshll.u32 s7, $0x6;
	(pc) =	sbr.rel .LBB2_2-.Ltmp5, $4  }
0x96: {  	s7 =	sadd.s32 s6, s7  }
0x97: {  	s7 =	sshrl.u32 s7, $0x3  }
0x98: {  	s16 =	sadd.s32 $0x1, s16;
	s7 =	sadd.s32 s5, s7  }
0x99: {  	[tilespmem:s23], [sflag:$0x4] =	stream.linear.gather [hbm4b:s7+s4], $0x2000, $0x38;
	[tilespmem:$0x1FE00] =	vst v63  }
.LBB2_9:
0x9a: {  	_ =	sfence.sel $0x180000  }
0x9b: {  	[bflag:$0x0] =	sbarrier.arrive $0xFFFF  }
0x9c: {  	_ =	strace $0x90000047  }
0x9d: {  	s0 =	stileid.u32;
	[bflag:$0x2] =	sbarrier.arrive $0xFFFF  }
0x9e: {  	p0 =	sne.s32 s0, $0x0;
	s0 =	rddreg [dreg:$0x3]  }
0x9f: {  	s0 =	sadd.s32 @!p0 $0x100000, s0  }
0xa0: {  	[sflag:s0] =	ssyncadd.tile.s32 @!p0 $0x1;
	_ =	shalt  }
.Lfunc_end2:
_tile_overlayer_lowered:
.L_overlay_start_2:
0xa1: {  	(tag) =	ssettag $0x2  }
0xa2: {  	s0 =	rddreg [dreg:$0x0];
	s2 =	stileid.u32  }
0xa3: {  	s1 =	rddreg [dreg:$0x1];
	p0 =	sne.s32 s2, $0x0  }
0xa4: {  	s3 =	rddreg [dreg:$0x2];
	[bflag:$0x3] =	sbarrier.arrive $0xFFFF;
	s2 =	simm.s32 @!p0 $0x1C07  }
0xa5: {  	[timem:s3], [sflag:s2] =	dma.local @!p0 [hbm:s0], s1  }
0xa6: {  	s0 =	simm.s32 @!p0 $0x7  }
0xa7: {  	_ =	swait.ge @!p0 [sflag:s0], s1  }
0xa8: {  	s1 =	ssub.s32 @!p0 $0x0, s1;
	[sflag:s0] =	ssyncset.done @!p0 $0x0  }
0xa9: {  	[sflag:s0] =	ssyncadd.s32 @!p0 s1  }
0xaa: {  	[bflag:$0x3] =	sbarrier.arrive $0xFFFF  }
0xab: {  	_ =	shalt  }

</sc_bundles>
